<compile_context>
chip_gen: v7x
topology: tpu7x:2x2x1
jax: 0.10.2.dev20260603
libtpu: 0.0.44.dev20260713+nightly
codegen_flags: <defaults>
</compile_context>

<pallas_src>
import dataclasses
import functools

import jax
import jax.numpy as jnp
from jax import lax
from jax.experimental import pallas as pl
from jax.experimental.pallas import tpu as pltpu
from jax.experimental.pallas import tpu_sc as plsc

_K = 32


def _bf(x):
    return jnp.full((16,), x, dtype=jnp.float32)


def _bi(x):
    return jnp.full((16,), x, dtype=jnp.int32)


def _sc_stage(out_flat, lab_flat):
    n5 = out_flat.shape[0]
    n = n5 // 5
    PL = 576
    SLABS = n // PL
    info = plsc.get_sparse_core_info()
    NC, NS, L = info.num_cores, info.num_subcores, info.num_lanes
    NW = NC * NS
    assert L == 16 and n % (NW * 16) == 0 and SLABS % NW == 0
    SW = SLABS // NW
    SPC = 4
    NSUB = SW // SPC
    GPS = PL // 16
    AW = SW * PL
    MN = AW // 16
    assert SW % SPC == 0 and MN % 16 == 0

    mesh = plsc.VectorSubcoreMesh(core_axis_name="c", subcore_axis_name="s")
    cp = pltpu.CompilerParams()
    if "needs_layout_passes" in pltpu.CompilerParams.__dataclass_fields__:
        cp = dataclasses.replace(cp, needs_layout_passes=False)

    @functools.partial(
        pl.kernel,
        mesh=mesh,
        out_type=(
            jax.ShapeDtypeStruct((n,), jnp.float32),
            jax.ShapeDtypeStruct((NW, 16), jnp.float32),
            jax.ShapeDtypeStruct((NW, _K), jnp.float32),
        ),
        scratch_types=[
            pltpu.VMEM((SPC * PL * 5,), jnp.float32),
            pltpu.VMEM((SPC * PL * 5,), jnp.float32),
            pltpu.VMEM((SPC * PL,), jnp.float32),
            pltpu.VMEM((AW,), jnp.float32),
            pltpu.VMEM((MN,), jnp.float32),
            pltpu.VMEM((_K,), jnp.float32),
            pltpu.VMEM((16,), jnp.float32),
        ],
        compiler_params=cp,
    )
    def sck(out_hbm, lab_hbm, p0_hbm, stats_hbm, cand_hbm,
            obuf, lbuf, pbuf, cbuf, mbuf, vbuf, sbuf):
        wid = lax.axis_index("s") * NC + lax.axis_index("c")
        lane = lax.iota(jnp.int32, 16)
        zf = jnp.zeros((16,), jnp.float32)
        onef = _bf(1.0)
        half = _bf(0.5)
        neginf = _bf(-jnp.inf)

        def grp_body(s, g, carry):
            npos, nneg, pc, r1, r2, r3, r4 = carry
            sl = g // GPS
            q = g - sl * GPS
            base = sl * (PL * 5) + q * 16
            x0 = obuf[pl.ds(base, 16)]
            cls = lbuf[pl.ds(base, 16)]
            pos = cls > half
            neg = cls < _bf(-0.5)
            npos = npos + jnp.where(pos, onef, zf)
            nneg = nneg + jnp.where(neg, onef, zf)
            pc = pc + jnp.where(pos & (x0 >= zf), onef, zf)
            regs = []
            for c in range(1, 5):
                oc = obuf[pl.ds(base + c * PL, 16)]
                lc = lbuf[pl.ds(base + c * PL, 16)]
                d = oc - lc
                ad = jnp.abs(d)
                t = jnp.where(ad < onef, half * d * d, ad - half)
                regs.append(jnp.where(pos, t, zf))
            r1 = r1 + regs[0]
            r2 = r2 + regs[1]
            r3 = r3 + regs[2]
            r4 = r4 + regs[3]
            candv = jnp.where(neg, x0, neginf)
            p0v = jnp.where(pos, x0, _bf(100.0))
            gi = s * (SPC * GPS) + g
            cbuf[pl.ds(gi * 16, 16)] = candv
            pbuf[pl.ds((sl * GPS + q) * 16, 16)] = p0v
            gm = jnp.max(candv)
            plsc.store_scatter(mbuf, [_bi(gi)], _bf(gm), mask=lane == _bi(0))
            return (npos, nneg, pc, r1, r2, r3, r4)

        def sub_body(s, carry):
            sbase = (wid * SW + s * SPC) * (PL * 5)
            pltpu.sync_copy(out_hbm.at[pl.ds(sbase, SPC * PL * 5)], obuf)
            pltpu.sync_copy(lab_hbm.at[pl.ds(sbase, SPC * PL * 5)], lbuf)
            carry = lax.fori_loop(
                0, SPC * GPS, lambda g, c: grp_body(s, g, c), carry)
            pltpu.sync_copy(
                pbuf, p0_hbm.at[pl.ds(wid * AW + s * SPC * PL, SPC * PL)])
            return carry

        init = (zf, zf, zf, zf, zf, zf, zf)
        npos, nneg, pc, r1, r2, r3, r4 = lax.fori_loop(
            0, NSUB, sub_body, init)

        def ext_body(j, _):
            def scan_body(i, bcarry):
                best, bg = bcarry
                v = mbuf[pl.ds(i * 16, 16)]
                m = jnp.max(v)
                p = m > best
                return (jnp.where(p, m, best), jnp.where(p, i, bg))

            best, bg = lax.fori_loop(
                0, MN // 16, scan_body,
                (jnp.float32(-jnp.inf), jnp.int32(0)))
            v = mbuf[pl.ds(bg * 16, 16)]
            l1 = jnp.min(jnp.where(v == _bf(best), lane, _bi(16)))
            gstar = bg * 16 + l1
            c = cbuf[pl.ds(gstar * 16, 16)]
            l2 = jnp.min(jnp.where(c == _bf(best), lane, _bi(16)))
            newc = jnp.where(lane == _bi(l2), neginf, c)
            cbuf[pl.ds(gstar * 16, 16)] = newc
            nm = jnp.max(newc)
            plsc.store_scatter(mbuf, [_bi(gstar)], _bf(nm),
                               mask=lane == _bi(0))
            plsc.store_scatter(vbuf, [_bi(j)], _bf(best),
                               mask=lane == _bi(0))
            return 0

        lax.fori_loop(0, _K, ext_body, 0)

        sv = zf
        stats_vals = [jnp.sum(npos), jnp.sum(nneg), jnp.sum(pc),
                      jnp.sum(r1), jnp.sum(r2), jnp.sum(r3), jnp.sum(r4)]
        for k, val in enumerate(stats_vals):
            sv = jnp.where(lane == _bi(k), _bf(val), sv)
        sbuf[...] = sv
        pltpu.sync_copy(sbuf, stats_hbm.at[wid])
        pltpu.sync_copy(vbuf, cand_hbm.at[wid])

    return sck(out_flat, lab_flat)


def _softplus(x):
    return jnp.maximum(x, 0.0) + jnp.log1p(jnp.exp(-jnp.abs(x)))


def _tc_finalize(p0r, stats, candr):
    R = p0r.shape[0]
    NB = 8
    BR = R // NB
    NWS = stats.shape[0]

    def body(p0_ref, st_ref, cd_ref, f_ref, i_ref, acc_ref):
        step = pl.program_id(0)

        @pl.when(step == 0)
        def _():
            acc_ref[...] = jnp.zeros((8, 128), jnp.float32)

        v = p0_ref[...]
        term = jnp.minimum(_softplus(-v), 100.0)
        acc_ref[...] += jnp.sum(term.reshape(BR // 8, 8, 128), axis=0)

        @pl.when(step == NB - 1)
        def _():
            bps = jnp.sum(acc_ref[...])
            st = st_ref[...]
            npos = jnp.sum(st[:, 0])
            nneg = jnp.sum(st[:, 1])
            pc = jnp.sum(st[:, 2])
            rs = [jnp.sum(st[:, 3 + c]) for c in range(4)]
            kcf = jnp.minimum(nneg, jnp.float32(_K))
            li = lax.broadcasted_iota(jnp.int32, (1, 128), 1)
            idx2 = (lax.broadcasted_iota(jnp.int32, (8, 128), 0) * 128
                    + lax.broadcasted_iota(jnp.int32, (8, 128), 1))

            def ext(j, carry):
                A, ev = carry
                m = jnp.max(A)
                ev = jnp.where(li == j, m, ev)
                eq = A == m
                fi = jnp.min(jnp.where(eq, idx2, jnp.int32(1 << 30)))
                A = jnp.where(eq & (idx2 == fi), -jnp.inf, A)
                return (A, ev)

            ev0 = jnp.full((1, 128), -jnp.inf, jnp.float32)
            _, ev = lax.fori_loop(0, _K, ext, (cd_ref[...], ev0))
            valid = li.astype(jnp.float32) < kcf
            spm = jnp.minimum(_softplus(ev), 100.0)
            bns = jnp.sum(jnp.where(valid, spm, 0.0))
            ncf = jnp.sum(jnp.where(valid & (ev < 0.0), 1.0, 0.0))

            npd = jnp.maximum(npos, 1.0)
            bp = bps / npd
            bn = bns / jnp.maximum(kcf, 1.0)
            has_pos = npos > 0.5
            classify = jnp.where(has_pos, 0.5 * bp + 0.5 * bn, 0.5 * bn)
            regs = [jnp.where(has_pos, r / npd, 0.0) for r in rs]
            loss = classify + regs[0] + regs[1] + regs[2] + regs[3]

            fv = jnp.zeros((1, 128), jnp.float32)
            for k, val in enumerate([loss, classify] + regs):
                fv = jnp.where(li == k, val, fv)
            f_ref[...] = fv
            iv = jnp.zeros((1, 128), jnp.float32)
            for k, val in enumerate([pc, npos, ncf, kcf]):
                iv = jnp.where(li == k, val, iv)
            i_ref[...] = iv.astype(jnp.int32)

    return pl.pallas_call(
        body,
        grid=(NB,),
        in_specs=[
            pl.BlockSpec((BR, 128), lambda i: (i, 0)),
            pl.BlockSpec((NWS, 16), lambda i: (0, 0)),
            pl.BlockSpec((8, 128), lambda i: (0, 0)),
        ],
        out_specs=[
            pl.BlockSpec((1, 128), lambda i: (0, 0)),
            pl.BlockSpec((1, 128), lambda i: (0, 0)),
        ],
        out_shape=(
            jax.ShapeDtypeStruct((1, 128), jnp.float32),
            jax.ShapeDtypeStruct((1, 128), jnp.int32),
        ),
        scratch_shapes=[pltpu.VMEM((8, 128), jnp.float32)],
    )(p0r, stats, candr)


def kernel(output, labels):
    n = output.size // 5
    out_b = lax.optimization_barrier(output.transpose(0, 1, 4, 5, 2, 3))
    lab_b = lax.optimization_barrier(labels.transpose(0, 1, 4, 5, 2, 3))
    out_flat = out_b.reshape(-1)
    lab_flat = lab_b.reshape(-1)
    p0, stats, cand = _sc_stage(out_flat, lab_flat)
    p0r = p0.reshape(n // 128, 128)
    candr = cand.reshape(8, 128)
    f, iv = _tc_finalize(p0r, stats, candr)
    return (f[0, 0], f[0, 1], f[0, 2], f[0, 3], f[0, 4], f[0, 5],
            iv[0, 0], iv[0, 1], iv[0, 2], iv[0, 3])

# --- scband reference (transcript-rebuilt; emitter-appended) ---
"""Pipeline reference for scband-loss-9543417332530 (READ-ONLY COPY).

The authoritative reference and input builder live on the scoring server;
editing this copy changes nothing except your own understanding.
"""

import jax, jax.numpy as jnp
import numpy as np

NUM_HARD = 2


def setup_inputs(seed: int = 0) -> dict:
    key = jax.random.key(seed)
    k1, k2, k3 = jax.random.split(key, 3)
    shape = (16, 24, 24, 24, 3, 5)
    output = jax.random.normal(k1, shape, dtype=jnp.float32)
    # labels channel 0 is the class target in {-1, 0, 1}; channels 1..4 are regression targets
    cls = (jax.random.randint(k2, shape[:-1], 0, 3) - 1).astype(jnp.float32)
    reg = jax.random.normal(k3, shape[:-1] + (4,), dtype=jnp.float32)
    labels = jnp.concatenate([cls[..., None], reg], axis=-1)
    return {"output": output, "labels": labels}


def _bce(p, t):
    # torch.nn.BCELoss clamps log terms at -100
    logp = jnp.clip(jnp.log(p), -100.0, None)
    log1mp = jnp.clip(jnp.log(1.0 - p), -100.0, None)
    return jnp.mean(-(t * logp + (1.0 - t) * log1mp))


def _smooth_l1(pred, target):
    d = pred - target
    ad = jnp.abs(d)
    return jnp.mean(jnp.where(ad < 1.0, 0.5 * d * d, ad - 0.5))


def _masked_bce(p, t, mask, count):
    logp = jnp.clip(jnp.log(p), -100.0, None)
    log1mp = jnp.clip(jnp.log(1.0 - p), -100.0, None)
    term = -(t * logp + (1.0 - t) * log1mp)
    denom = jnp.maximum(count, 1).astype(jnp.float32)
    return jnp.sum(jnp.where(mask, term, 0.0)) / denom


def _masked_smooth_l1(pred, target, mask, count):
    d = pred - target
    ad = jnp.abs(d)
    term = jnp.where(ad < 1.0, 0.5 * d * d, ad - 0.5)
    denom = jnp.maximum(count, 1).astype(jnp.float32)
    return jnp.sum(jnp.where(mask, term, 0.0)) / denom


def reference(output, labels):
    batch_size = labels.shape[0]
    out = output.reshape(-1, 5)
    lab = labels.reshape(-1, 5)
    cls = lab[:, 0]
    n = cls.shape[0]
    pos_mask = cls > 0.5
    neg_mask = cls < -0.5
    num_pos = jnp.sum(pos_mask).astype(jnp.int32)
    num_neg = jnp.sum(neg_mask).astype(jnp.int32)
    masked_neg = jnp.where(neg_mask, out[:, 0], -jnp.inf)
    if NUM_HARD > 0:
        k_max = min(NUM_HARD * batch_size, n)
        neg_output, top_i = jax.lax.top_k(masked_neg, k_max)
        neg_labels = cls[top_i]
        k_count = jnp.minimum(jnp.int32(k_max), num_neg)
        neg_valid = jnp.arange(k_max) < k_count
    else:
        neg_output = masked_neg
        neg_labels = cls
        k_count = num_neg
        neg_valid = neg_mask
    neg_prob = jax.nn.sigmoid(neg_output)
    bce_neg = _masked_bce(neg_prob, neg_labels + 1.0, neg_valid, k_count)
    pos_prob = jax.nn.sigmoid(out[:, 0])
    bce_pos = _masked_bce(pos_prob, cls, pos_mask, num_pos)
    has_pos = num_pos > 0
    regress_losses = [
        jnp.where(has_pos,
                  _masked_smooth_l1(out[:, i], lab[:, i], pos_mask, num_pos),
                  jnp.float32(0.0))
        for i in range(1, 5)
    ]
    classify_loss = jnp.where(has_pos, 0.5 * bce_pos + 0.5 * bce_neg, 0.5 * bce_neg)
    pos_correct = jnp.sum(pos_mask & (pos_prob >= 0.5)).astype(jnp.int32)
    pos_total = num_pos
    loss = classify_loss
    for rl in regress_losses:
        loss = loss + rl
    neg_correct = jnp.sum(neg_valid & (neg_prob < 0.5)).astype(jnp.int32)
    neg_total = k_count
    return (loss, classify_loss, regress_losses[0], regress_losses[1], regress_losses[2], regress_losses[3],
            pos_correct, pos_total.astype(jnp.int32), neg_correct, neg_total.astype(jnp.int32))

if __name__ == "__main__":
    import jax
    _d = setup_inputs()
    print(jax.jit(kernel)(*tuple(_d.values())))

</pallas_src>

<mosaic_0001>
#map = affine_map<(d0, d1) -> (0)>
#map1 = affine_map<(d0, d1) -> (0, 0)>
module attributes {stable_mosaic.version = 14 : i64} {
  func.func @sck(%arg0: i32, %arg1: i32, %arg2: memref<3317760xf32, #tpu.memory_space<hbm>>, %arg3: memref<3317760xf32, #tpu.memory_space<hbm>>, %arg4: memref<663552xf32, #tpu.memory_space<hbm>>, %arg5: memref<32x16xf32, #tpu.memory_space<hbm>>, %arg6: memref<32x32xf32, #tpu.memory_space<hbm>>, %arg7: memref<11520xf32, #tpu.memory_space<vmem>>, %arg8: memref<11520xf32, #tpu.memory_space<vmem>>, %arg9: memref<2304xf32, #tpu.memory_space<vmem>>, %arg10: memref<20736xf32, #tpu.memory_space<vmem>>, %arg11: memref<1296xf32, #tpu.memory_space<vmem>>, %arg12: memref<32xf32, #tpu.memory_space<vmem>>, %arg13: memref<16xf32, #tpu.memory_space<vmem>>) attributes {dimension_semantics = [#tpu.dimension_semantics<core_parallel>, #tpu.dimension_semantics<subcore_parallel>], iteration_bounds = array<i64: 2, 16>, scalar_prefetch = 0 : i64, scratch_operands = 7 : i64, tpu.core_type = #tpu.core_type<sc_vector_subcore>, window_params = [{transform_indices = #map}, {transform_indices = #map}, {transform_indices = #map}, {transform_indices = #map1}, {transform_indices = #map1}]} {
    %mul3A = arith.constant 2 : i32
    %mul3A_0 = arith.muli %arg1, %mul3A : i32
    %add3A = arith.addi %mul3A_0, %arg0 : i32
    %iota3A = tpu.iota {dimensions = array<i32: 0>} : vector<16xi32>
    %broadcast_in_dim3A = arith.constant 0.000000e+00 : f32
    %broadcast_in_dim3A_1 = vector.broadcast %broadcast_in_dim3A : f32 to vector<16xf32>
    %broadcast_in_dim3A_2 = arith.constant 1.000000e+00 : f32
    %broadcast_in_dim3A_3 = vector.broadcast %broadcast_in_dim3A_2 : f32 to vector<16xf32>
    %broadcast_in_dim3A_4 = arith.constant 5.000000e-01 : f32
    %broadcast_in_dim3A_5 = vector.broadcast %broadcast_in_dim3A_4 : f32 to vector<16xf32>
    %broadcast_in_dim3A_6 = arith.constant 0xFF800000 : f32
    %broadcast_in_dim3A_7 = vector.broadcast %broadcast_in_dim3A_6 : f32 to vector<16xf32>
    %scan3A = arith.constant 0 : i32
    %scan3A_8 = arith.constant 9 : i32
    %scan3A_9 = arith.addi %scan3A, %scan3A_8 : i32
    %scan3A_10 = arith.constant 1 : i32
    %scan3A_11:7 = scf.for %scan3A_81 = %scan3A to %scan3A_9 step %scan3A_10 iter_args(%scan3A_82 = %broadcast_in_dim3A_1, %scan3A_83 = %broadcast_in_dim3A_1, %scan3A_84 = %broadcast_in_dim3A_1, %scan3A_85 = %broadcast_in_dim3A_1, %scan3A_86 = %broadcast_in_dim3A_1, %scan3A_87 = %broadcast_in_dim3A_1, %scan3A_88 = %broadcast_in_dim3A_1) -> (vector<16xf32>, vector<16xf32>, vector<16xf32>, vector<16xf32>, vector<16xf32>, vector<16xf32>, vector<16xf32>)  : i32 {
      %mul3A_89 = arith.constant 36 : i32
      %mul3A_90 = arith.muli %add3A, %mul3A_89 : i32
      %mul3A_91 = arith.constant 4 : i32
      %mul3A_92 = arith.muli %scan3A_81, %mul3A_91 : i32
      %add3A_93 = arith.addi %mul3A_90, %mul3A_92 : i32
      %mul3A_94 = arith.constant 2880 : i32
      %mul3A_95 = arith.muli %add3A_93, %mul3A_94 : i32
      "tpu.region"() ({
        %run_scoped3A = tpu.sem_alloc : memref<!tpu.dma_semaphore, #tpu.memory_space<semaphore_mem>>
        %dma_start3A = tpu.memref_slice %arg2[%mul3A_95] : memref<3317760xf32, #tpu.memory_space<hbm>> -> memref<11520xf32, #tpu.memory_space<hbm>>
        %dma_start3A_109 = tpu.memref_slice %arg2[%mul3A_95] : memref<3317760xf32, #tpu.memory_space<hbm>> -> memref<11520xf32, #tpu.memory_space<hbm>>
        tpu.enqueue_dma source(%dma_start3A_109 : memref<11520xf32, #tpu.memory_space<hbm>>) target(%arg7 : memref<11520xf32, #tpu.memory_space<vmem>>) target_semaphore(%run_scoped3A : memref<!tpu.dma_semaphore, #tpu.memory_space<semaphore_mem>>)
        %dma_wait3A = tpu.memref_slice %arg2[%mul3A_95] : memref<3317760xf32, #tpu.memory_space<hbm>> -> memref<11520xf32, #tpu.memory_space<hbm>>
        %dma_wait3A_110 = tpu.memref_slice %arg2[%mul3A_95] : memref<3317760xf32, #tpu.memory_space<hbm>> -> memref<11520xf32, #tpu.memory_space<hbm>>
        tpu.wait_dma2 semaphore(%run_scoped3A : memref<!tpu.dma_semaphore, #tpu.memory_space<semaphore_mem>>) src(%dma_wait3A_110 : memref<11520xf32, #tpu.memory_space<hbm>>) dst(%arg7 : memref<11520xf32, #tpu.memory_space<vmem>>)
        tpu.yield
      }) : () -> ()
      "tpu.region"() ({
        %run_scoped3A = tpu.sem_alloc : memref<!tpu.dma_semaphore, #tpu.memory_space<semaphore_mem>>
        %dma_start3A = tpu.memref_slice %arg3[%mul3A_95] : memref<3317760xf32, #tpu.memory_space<hbm>> -> memref<11520xf32, #tpu.memory_space<hbm>>
        %dma_start3A_109 = tpu.memref_slice %arg3[%mul3A_95] : memref<3317760xf32, #tpu.memory_space<hbm>> -> memref<11520xf32, #tpu.memory_space<hbm>>
        tpu.enqueue_dma source(%dma_start3A_109 : memref<11520xf32, #tpu.memory_space<hbm>>) target(%arg8 : memref<11520xf32, #tpu.memory_space<vmem>>) target_semaphore(%run_scoped3A : memref<!tpu.dma_semaphore, #tpu.memory_space<semaphore_mem>>)
        %dma_wait3A = tpu.memref_slice %arg3[%mul3A_95] : memref<3317760xf32, #tpu.memory_space<hbm>> -> memref<11520xf32, #tpu.memory_space<hbm>>
        %dma_wait3A_110 = tpu.memref_slice %arg3[%mul3A_95] : memref<3317760xf32, #tpu.memory_space<hbm>> -> memref<11520xf32, #tpu.memory_space<hbm>>
        tpu.wait_dma2 semaphore(%run_scoped3A : memref<!tpu.dma_semaphore, #tpu.memory_space<semaphore_mem>>) src(%dma_wait3A_110 : memref<11520xf32, #tpu.memory_space<hbm>>) dst(%arg8 : memref<11520xf32, #tpu.memory_space<vmem>>)
        tpu.yield
      }) : () -> ()
      %scan3A_96 = arith.constant 0 : i32
      %scan3A_97 = arith.constant 144 : i32
      %scan3A_98 = arith.addi %scan3A_96, %scan3A_97 : i32
      %scan3A_99 = arith.constant 1 : i32
      %scan3A_100:7 = scf.for %scan3A_109 = %scan3A_96 to %scan3A_98 step %scan3A_99 iter_args(%scan3A_110 = %scan3A_82, %scan3A_111 = %scan3A_83, %scan3A_112 = %scan3A_84, %scan3A_113 = %scan3A_85, %scan3A_114 = %scan3A_86, %scan3A_115 = %scan3A_87, %scan3A_116 = %scan3A_88) -> (vector<16xf32>, vector<16xf32>, vector<16xf32>, vector<16xf32>, vector<16xf32>, vector<16xf32>, vector<16xf32>)  : i32 {
        %jit3A = arith.constant 36 : i32
        %div3A = arith.divsi %scan3A_109, %jit3A : i32
        %sign3A = arith.constant 0 : i32
        %sign3A_117 = arith.cmpi sgt, %scan3A_109, %sign3A : i32
        %sign3A_118 = arith.extui %sign3A_117 : i1 to i32
        %sign3A_119 = arith.constant 0 : i32
        %sign3A_120 = arith.cmpi slt, %scan3A_109, %sign3A_119 : i32
        %sign3A_121 = arith.extui %sign3A_120 : i1 to i32
        %sign3A_122 = arith.subi %sign3A_118, %sign3A_121 : i32
        %sign3A_123 = arith.constant 0 : i32
        %sign3A_124 = arith.cmpi sgt, %jit3A, %sign3A_123 : i32
        %sign3A_125 = arith.extui %sign3A_124 : i1 to i32
        %sign3A_126 = arith.constant 0 : i32
        %sign3A_127 = arith.cmpi slt, %jit3A, %sign3A_126 : i32
        %sign3A_128 = arith.extui %sign3A_127 : i1 to i32
        %sign3A_129 = arith.subi %sign3A_125, %sign3A_128 : i32
        %ne3A = arith.cmpi ne, %sign3A_122, %sign3A_129 : i32
        %rem3A = arith.remsi %scan3A_109, %jit3A : i32
        %ne3A_130 = arith.constant 0 : i32
        %ne3A_131 = arith.cmpi ne, %rem3A, %ne3A_130 : i32
        %and3A = arith.andi %ne3A, %ne3A_131 : i1
        %sub3A = arith.constant 1 : i32
        %sub3A_132 = arith.subi %div3A, %sub3A : i32
        %select_n3A_133 = arith.select %and3A, %sub3A_132, %div3A : i32
        %mul3A_134 = arith.constant 36 : i32
        %mul3A_135 = arith.muli %select_n3A_133, %mul3A_134 : i32
        %sub3A_136 = arith.subi %scan3A_109, %mul3A_135 : i32
        %mul3A_137 = arith.constant 2880 : i32
        %mul3A_138 = arith.muli %select_n3A_133, %mul3A_137 : i32
        %mul3A_139 = arith.constant 16 : i32
        %mul3A_140 = arith.muli %sub3A_136, %mul3A_139 : i32
        %add3A_141 = arith.addi %mul3A_138, %mul3A_140 : i32
        %get3A = arith.index_cast %add3A_141 : i32 to index
        %get3A_142 = tpu.vector_load %arg7[%get3A] {strides = array<i32>} : memref<11520xf32, #tpu.memory_space<vmem>>, vector<16xf32>,
        %get3A_143 = arith.index_cast %add3A_141 : i32 to index
        %get3A_144 = tpu.vector_load %arg8[%get3A_143] {strides = array<i32>} : memref<11520xf32, #tpu.memory_space<vmem>>, vector<16xf32>,
        %gt3A = arith.cmpf ogt, %get3A_144, %broadcast_in_dim3A_5 : vector<16xf32>
        %broadcast_in_dim3A_145 = arith.constant -5.000000e-01 : f32
        %broadcast_in_dim3A_146 = vector.broadcast %broadcast_in_dim3A_145 : f32 to vector<16xf32>
        %lt3A = arith.cmpf olt, %get3A_144, %broadcast_in_dim3A_146 : vector<16xf32>
        %select_n3A_147 = arith.select %gt3A, %broadcast_in_dim3A_3, %broadcast_in_dim3A_1 : vector<16xi1>, vector<16xf32>
        %add3A_148 = arith.addf %scan3A_110, %select_n3A_147 : vector<16xf32>
        %select_n3A_149 = arith.select %lt3A, %broadcast_in_dim3A_3, %broadcast_in_dim3A_1 : vector<16xi1>, vector<16xf32>
        %add3A_150 = arith.addf %scan3A_111, %select_n3A_149 : vector<16xf32>
        %ge3A = arith.cmpf oge, %get3A_142, %broadcast_in_dim3A_1 : vector<16xf32>
        %and3A_151 = arith.andi %gt3A, %ge3A : vector<16xi1>
        %select_n3A_152 = arith.select %and3A_151, %broadcast_in_dim3A_3, %broadcast_in_dim3A_1 : vector<16xi1>, vector<16xf32>
        %add3A_153 = arith.addf %scan3A_112, %select_n3A_152 : vector<16xf32>
        %add3A_154 = arith.constant 576 : i32
        %add3A_155 = arith.addi %add3A_141, %add3A_154 : i32
        %get3A_156 = arith.index_cast %add3A_155 : i32 to index
        %get3A_157 = tpu.vector_load %arg7[%get3A_156] {strides = array<i32>} : memref<11520xf32, #tpu.memory_space<vmem>>, vector<16xf32>,
        %add3A_158 = arith.constant 576 : i32
        %add3A_159 = arith.addi %add3A_141, %add3A_158 : i32
        %get3A_160 = arith.index_cast %add3A_159 : i32 to index
        %get3A_161 = tpu.vector_load %arg8[%get3A_160] {strides = array<i32>} : memref<11520xf32, #tpu.memory_space<vmem>>, vector<16xf32>,
        %sub3A_162 = arith.subf %get3A_157, %get3A_161 : vector<16xf32>
        %abs3A = math.absf %sub3A_162 : vector<16xf32>
        %lt3A_163 = arith.cmpf olt, %abs3A, %broadcast_in_dim3A_3 : vector<16xf32>
        %mul3A_164 = arith.mulf %broadcast_in_dim3A_5, %sub3A_162 : vector<16xf32>
        %mul3A_165 = arith.mulf %mul3A_164, %sub3A_162 : vector<16xf32>
        %sub3A_166 = arith.subf %abs3A, %broadcast_in_dim3A_5 : vector<16xf32>
        %select_n3A_167 = arith.select %lt3A_163, %mul3A_165, %sub3A_166 : vector<16xi1>, vector<16xf32>
        %select_n3A_168 = arith.select %gt3A, %select_n3A_167, %broadcast_in_dim3A_1 : vector<16xi1>, vector<16xf32>
        %add3A_169 = arith.constant 1152 : i32
        %add3A_170 = arith.addi %add3A_141, %add3A_169 : i32
        %get3A_171 = arith.index_cast %add3A_170 : i32 to index
        %get3A_172 = tpu.vector_load %arg7[%get3A_171] {strides = array<i32>} : memref<11520xf32, #tpu.memory_space<vmem>>, vector<16xf32>,
        %add3A_173 = arith.constant 1152 : i32
        %add3A_174 = arith.addi %add3A_141, %add3A_173 : i32
        %get3A_175 = arith.index_cast %add3A_174 : i32 to index
        %get3A_176 = tpu.vector_load %arg8[%get3A_175] {strides = array<i32>} : memref<11520xf32, #tpu.memory_space<vmem>>, vector<16xf32>,
        %sub3A_177 = arith.subf %get3A_172, %get3A_176 : vector<16xf32>
        %abs3A_178 = math.absf %sub3A_177 : vector<16xf32>
        %lt3A_179 = arith.cmpf olt, %abs3A_178, %broadcast_in_dim3A_3 : vector<16xf32>
        %mul3A_180 = arith.mulf %broadcast_in_dim3A_5, %sub3A_177 : vector<16xf32>
        %mul3A_181 = arith.mulf %mul3A_180, %sub3A_177 : vector<16xf32>
        %sub3A_182 = arith.subf %abs3A_178, %broadcast_in_dim3A_5 : vector<16xf32>
        %select_n3A_183 = arith.select %lt3A_179, %mul3A_181, %sub3A_182 : vector<16xi1>, vector<16xf32>
        %select_n3A_184 = arith.select %gt3A, %select_n3A_183, %broadcast_in_dim3A_1 : vector<16xi1>, vector<16xf32>
        %add3A_185 = arith.constant 1728 : i32
        %add3A_186 = arith.addi %add3A_141, %add3A_185 : i32
        %get3A_187 = arith.index_cast %add3A_186 : i32 to index
        %get3A_188 = tpu.vector_load %arg7[%get3A_187] {strides = array<i32>} : memref<11520xf32, #tpu.memory_space<vmem>>, vector<16xf32>,
        %add3A_189 = arith.constant 1728 : i32
        %add3A_190 = arith.addi %add3A_141, %add3A_189 : i32
        %get3A_191 = arith.index_cast %add3A_190 : i32 to index
        %get3A_192 = tpu.vector_load %arg8[%get3A_191] {strides = array<i32>} : memref<11520xf32, #tpu.memory_space<vmem>>, vector<16xf32>,
        %sub3A_193 = arith.subf %get3A_188, %get3A_192 : vector<16xf32>
        %abs3A_194 = math.absf %sub3A_193 : vector<16xf32>
        %lt3A_195 = arith.cmpf olt, %abs3A_194, %broadcast_in_dim3A_3 : vector<16xf32>
        %mul3A_196 = arith.mulf %broadcast_in_dim3A_5, %sub3A_193 : vector<16xf32>
        %mul3A_197 = arith.mulf %mul3A_196, %sub3A_193 : vector<16xf32>
        %sub3A_198 = arith.subf %abs3A_194, %broadcast_in_dim3A_5 : vector<16xf32>
        %select_n3A_199 = arith.select %lt3A_195, %mul3A_197, %sub3A_198 : vector<16xi1>, vector<16xf32>
        %select_n3A_200 = arith.select %gt3A, %select_n3A_199, %broadcast_in_dim3A_1 : vector<16xi1>, vector<16xf32>
        %add3A_201 = arith.constant 2304 : i32
        %add3A_202 = arith.addi %add3A_141, %add3A_201 : i32
        %get3A_203 = arith.index_cast %add3A_202 : i32 to index
        %get3A_204 = tpu.vector_load %arg7[%get3A_203] {strides = array<i32>} : memref<11520xf32, #tpu.memory_space<vmem>>, vector<16xf32>,
        %add3A_205 = arith.constant 2304 : i32
        %add3A_206 = arith.addi %add3A_141, %add3A_205 : i32
        %get3A_207 = arith.index_cast %add3A_206 : i32 to index
        %get3A_208 = tpu.vector_load %arg8[%get3A_207] {strides = array<i32>} : memref<11520xf32, #tpu.memory_space<vmem>>, vector<16xf32>,
        %sub3A_209 = arith.subf %get3A_204, %get3A_208 : vector<16xf32>
        %abs3A_210 = math.absf %sub3A_209 : vector<16xf32>
        %lt3A_211 = arith.cmpf olt, %abs3A_210, %broadcast_in_dim3A_3 : vector<16xf32>
        %mul3A_212 = arith.mulf %broadcast_in_dim3A_5, %sub3A_209 : vector<16xf32>
        %mul3A_213 = arith.mulf %mul3A_212, %sub3A_209 : vector<16xf32>
        %sub3A_214 = arith.subf %abs3A_210, %broadcast_in_dim3A_5 : vector<16xf32>
        %select_n3A_215 = arith.select %lt3A_211, %mul3A_213, %sub3A_214 : vector<16xi1>, vector<16xf32>
        %select_n3A_216 = arith.select %gt3A, %select_n3A_215, %broadcast_in_dim3A_1 : vector<16xi1>, vector<16xf32>
        %add3A_217 = arith.addf %scan3A_113, %select_n3A_168 : vector<16xf32>
        %add3A_218 = arith.addf %scan3A_114, %select_n3A_184 : vector<16xf32>
        %add3A_219 = arith.addf %scan3A_115, %select_n3A_200 : vector<16xf32>
        %add3A_220 = arith.addf %scan3A_116, %select_n3A_216 : vector<16xf32>
        %select_n3A_221 = arith.select %lt3A, %get3A_142, %broadcast_in_dim3A_7 : vector<16xi1>, vector<16xf32>
        %broadcast_in_dim3A_222 = arith.constant 1.000000e+02 : f32
        %broadcast_in_dim3A_223 = vector.broadcast %broadcast_in_dim3A_222 : f32 to vector<16xf32>
        %select_n3A_224 = arith.select %gt3A, %get3A_142, %broadcast_in_dim3A_223 : vector<16xi1>, vector<16xf32>
        %mul3A_225 = arith.constant 144 : i32
        %mul3A_226 = arith.muli %scan3A_81, %mul3A_225 : i32
        %add3A_227 = arith.addi %mul3A_226, %scan3A_109 : i32
        %mul3A_228 = arith.constant 16 : i32
        %mul3A_229 = arith.muli %add3A_227, %mul3A_228 : i32
        %swap3A_230 = arith.index_cast %mul3A_229 : i32 to index
        %swap3A_231 = tpu.vector_load %arg10[%swap3A_230] {strides = array<i32>} : memref<20736xf32, #tpu.memory_space<vmem>>, vector<16xf32>,
        tpu.vector_store %arg10[%swap3A_230], %select_n3A_221 {strides = array<i32>} : memref<20736xf32, #tpu.memory_space<vmem>>, vector<16xf32>,
        %mul3A_232 = arith.constant 36 : i32
        %mul3A_233 = arith.muli %select_n3A_133, %mul3A_232 : i32
        %add3A_234 = arith.addi %mul3A_233, %sub3A_136 : i32
        %mul3A_235 = arith.constant 16 : i32
        %mul3A_236 = arith.muli %add3A_234, %mul3A_235 : i32
        %swap3A_237 = arith.index_cast %mul3A_236 : i32 to index
        %swap3A_238 = tpu.vector_load %arg9[%swap3A_237] {strides = array<i32>} : memref<2304xf32, #tpu.memory_space<vmem>>, vector<16xf32>,
        tpu.vector_store %arg9[%swap3A_237], %select_n3A_224 {strides = array<i32>} : memref<2304xf32, #tpu.memory_space<vmem>>, vector<16xf32>,
        %reduce_max3A = arith.constant true
        %reduce_max3A_239 = vector.broadcast %reduce_max3A : i1 to vector<16xi1>
        %reduce_max3A_240 = tpu.scan <max>, %select_n3A_221 masked %reduce_max3A_239 : vector<16xf32>, vector<16xi1> -> vector<16xf32>
        %reduce_max3A_241 = vector.extract %reduce_max3A_240[15] : f32 from vector<16xf32>
        %broadcast_in_dim3A_242 = vector.broadcast %add3A_227 : i32 to vector<16xi32>
        %broadcast_in_dim3A_243 = vector.broadcast %reduce_max3A_241 : f32 to vector<16xf32>
        %broadcast_in_dim3A_244 = arith.constant 0 : i32
        %broadcast_in_dim3A_245 = vector.broadcast %broadcast_in_dim3A_244 : i32 to vector<16xi32>
        %eq3A_246 = arith.cmpi eq, %iota3A, %broadcast_in_dim3A_245 : vector<16xi32>
        tpu.vector_store_idx %arg11[%broadcast_in_dim3A_242], %broadcast_in_dim3A_243 masked %eq3A_246 : memref<1296xf32, #tpu.memory_space<vmem>>[vector<16xi32>], vector<16xf32>, vector<16xi1>
        scf.yield %add3A_148, %add3A_150, %add3A_153, %add3A_217, %add3A_218, %add3A_219, %add3A_220 : vector<16xf32>, vector<16xf32>, vector<16xf32>, vector<16xf32>, vector<16xf32>, vector<16xf32>, vector<16xf32>
      }
      %scan3A_101 = arith.constant 144 : i32
      %mul3A_102 = arith.constant 20736 : i32
      %mul3A_103 = arith.muli %add3A, %mul3A_102 : i32
      %mul3A_104 = arith.constant 4 : i32
      %mul3A_105 = arith.muli %scan3A_81, %mul3A_104 : i32
      %mul3A_106 = arith.constant 576 : i32
      %mul3A_107 = arith.muli %mul3A_105, %mul3A_106 : i32
      %add3A_108 = arith.addi %mul3A_103, %mul3A_107 : i32
      "tpu.region"() ({
        %run_scoped3A = tpu.sem_alloc : memref<!tpu.dma_semaphore, #tpu.memory_space<semaphore_mem>>
        %dma_start3A = tpu.memref_slice %arg4[%add3A_108] : memref<663552xf32, #tpu.memory_space<hbm>> -> memref<2304xf32, #tpu.memory_space<hbm>>
        %dma_start3A_109 = tpu.memref_slice %arg4[%add3A_108] : memref<663552xf32, #tpu.memory_space<hbm>> -> memref<2304xf32, #tpu.memory_space<hbm>>
        tpu.enqueue_dma source(%arg9 : memref<2304xf32, #tpu.memory_space<vmem>>) target(%dma_start3A_109 : memref<2304xf32, #tpu.memory_space<hbm>>) target_semaphore(%run_scoped3A : memref<!tpu.dma_semaphore, #tpu.memory_space<semaphore_mem>>)
        %dma_wait3A = tpu.memref_slice %arg4[%add3A_108] : memref<663552xf32, #tpu.memory_space<hbm>> -> memref<2304xf32, #tpu.memory_space<hbm>>
        %dma_wait3A_110 = tpu.memref_slice %arg4[%add3A_108] : memref<663552xf32, #tpu.memory_space<hbm>> -> memref<2304xf32, #tpu.memory_space<hbm>>
        tpu.wait_dma2 semaphore(%run_scoped3A : memref<!tpu.dma_semaphore, #tpu.memory_space<semaphore_mem>>) src(%arg9 : memref<2304xf32, #tpu.memory_space<vmem>>) dst(%dma_wait3A_110 : memref<2304xf32, #tpu.memory_space<hbm>>)
        tpu.yield
      }) : () -> ()
      scf.yield %scan3A_100#0, %scan3A_100#1, %scan3A_100#2, %scan3A_100#3, %scan3A_100#4, %scan3A_100#5, %scan3A_100#6 : vector<16xf32>, vector<16xf32>, vector<16xf32>, vector<16xf32>, vector<16xf32>, vector<16xf32>, vector<16xf32>
    }
    %scan3A_12 = arith.constant 9 : i32
    %scan3A_13 = arith.constant 0 : i32
    %scan3A_14 = arith.constant 0 : i32
    %scan3A_15 = arith.constant 32 : i32
    %scan3A_16 = arith.addi %scan3A_14, %scan3A_15 : i32
    %scan3A_17 = arith.constant 1 : i32
    %scan3A_18 = scf.for %scan3A_81 = %scan3A_14 to %scan3A_16 step %scan3A_17 iter_args(%scan3A_82 = %scan3A_13) -> (i32)  : i32 {
      %scan3A_83 = arith.constant 0xFF800000 : f32
      %scan3A_84 = arith.constant 0 : i32
      %scan3A_85 = arith.constant 0 : i32
      %scan3A_86 = arith.constant 81 : i32
      %scan3A_87 = arith.addi %scan3A_85, %scan3A_86 : i32
      %scan3A_88 = arith.constant 1 : i32
      %scan3A_89:2 = scf.for %scan3A_147 = %scan3A_85 to %scan3A_87 step %scan3A_88 iter_args(%scan3A_148 = %scan3A_83, %scan3A_149 = %scan3A_84) -> (f32, i32)  : i32 {
        %mul3A_150 = arith.constant 16 : i32
        %mul3A_151 = arith.muli %scan3A_147, %mul3A_150 : i32
        %get3A_152 = arith.index_cast %mul3A_151 : i32 to index
        %get3A_153 = tpu.vector_load %arg11[%get3A_152] {strides = array<i32>} : memref<1296xf32, #tpu.memory_space<vmem>>, vector<16xf32>,
        %reduce_max3A_154 = arith.constant true
        %reduce_max3A_155 = vector.broadcast %reduce_max3A_154 : i1 to vector<16xi1>
        %reduce_max3A_156 = tpu.scan <max>, %get3A_153 masked %reduce_max3A_155 : vector<16xf32>, vector<16xi1> -> vector<16xf32>
        %reduce_max3A_157 = vector.extract %reduce_max3A_156[15] : f32 from vector<16xf32>
        %gt3A = arith.cmpf ogt, %reduce_max3A_157, %scan3A_148 : f32
        %select_n3A_158 = arith.select %gt3A, %reduce_max3A_157, %scan3A_148 : f32
        %select_n3A_159 = arith.select %gt3A, %scan3A_147, %scan3A_149 : i32
        scf.yield %select_n3A_158, %select_n3A_159 : f32, i32
      }
      %scan3A_90 = arith.constant 81 : i32
      %mul3A_91 = arith.constant 16 : i32
      %mul3A_92 = arith.muli %scan3A_89#1, %mul3A_91 : i32
      %get3A = arith.index_cast %mul3A_92 : i32 to index
      %get3A_93 = tpu.vector_load %arg11[%get3A] {strides = array<i32>} : memref<1296xf32, #tpu.memory_space<vmem>>, vector<16xf32>,
      %broadcast_in_dim3A_94 = vector.broadcast %scan3A_89#0 : f32 to vector<16xf32>
      %eq3A_95 = arith.cmpf oeq, %get3A_93, %broadcast_in_dim3A_94 : vector<16xf32>
      %broadcast_in_dim3A_96 = arith.constant 16 : i32
      %broadcast_in_dim3A_97 = vector.broadcast %broadcast_in_dim3A_96 : i32 to vector<16xi32>
      %select_n3A_98 = arith.select %eq3A_95, %iota3A, %broadcast_in_dim3A_97 : vector<16xi1>, vector<16xi32>
      %reduce_min3A = arith.constant true
      %reduce_min3A_99 = vector.broadcast %reduce_min3A : i1 to vector<16xi1>
      %reduce_min3A_100 = arith.constant -2147483648 : i32
      %reduce_min3A_101 = vector.broadcast %reduce_min3A_100 : i32 to vector<16xi32>
      %reduce_min3A_102 = arith.xori %select_n3A_98, %reduce_min3A_101 : vector<16xi32>
      %reduce_min3A_103 = tpu.scan <min>, %reduce_min3A_102 masked %reduce_min3A_99 : vector<16xi32>, vector<16xi1> -> vector<16xi32>
      %reduce_min3A_104 = arith.xori %reduce_min3A_103, %reduce_min3A_101 : vector<16xi32>
      %reduce_min3A_105 = vector.extract %reduce_min3A_104[15] : i32 from vector<16xi32>
      %mul3A_106 = arith.constant 16 : i32
      %mul3A_107 = arith.muli %scan3A_89#1, %mul3A_106 : i32
      %add3A_108 = arith.addi %mul3A_107, %reduce_min3A_105 : i32
      %mul3A_109 = arith.constant 16 : i32
      %mul3A_110 = arith.muli %add3A_108, %mul3A_109 : i32
      %get3A_111 = arith.index_cast %mul3A_110 : i32 to index
      %get3A_112 = tpu.vector_load %arg10[%get3A_111] {strides = array<i32>} : memref<20736xf32, #tpu.memory_space<vmem>>, vector<16xf32>,
      %broadcast_in_dim3A_113 = vector.broadcast %scan3A_89#0 : f32 to vector<16xf32>
      %eq3A_114 = arith.cmpf oeq, %get3A_112, %broadcast_in_dim3A_113 : vector<16xf32>
      %broadcast_in_dim3A_115 = arith.constant 16 : i32
      %broadcast_in_dim3A_116 = vector.broadcast %broadcast_in_dim3A_115 : i32 to vector<16xi32>
      %select_n3A_117 = arith.select %eq3A_114, %iota3A, %broadcast_in_dim3A_116 : vector<16xi1>, vector<16xi32>
      %reduce_min3A_118 = arith.constant true
      %reduce_min3A_119 = vector.broadcast %reduce_min3A_118 : i1 to vector<16xi1>
      %reduce_min3A_120 = arith.constant -2147483648 : i32
      %reduce_min3A_121 = vector.broadcast %reduce_min3A_120 : i32 to vector<16xi32>
      %reduce_min3A_122 = arith.xori %select_n3A_117, %reduce_min3A_121 : vector<16xi32>
      %reduce_min3A_123 = tpu.scan <min>, %reduce_min3A_122 masked %reduce_min3A_119 : vector<16xi32>, vector<16xi1> -> vector<16xi32>
      %reduce_min3A_124 = arith.xori %reduce_min3A_123, %reduce_min3A_121 : vector<16xi32>
      %reduce_min3A_125 = vector.extract %reduce_min3A_124[15] : i32 from vector<16xi32>
      %broadcast_in_dim3A_126 = vector.broadcast %reduce_min3A_125 : i32 to vector<16xi32>
      %eq3A_127 = arith.cmpi eq, %iota3A, %broadcast_in_dim3A_126 : vector<16xi32>
      %select_n3A_128 = arith.select %eq3A_127, %broadcast_in_dim3A_7, %get3A_112 : vector<16xi1>, vector<16xf32>
      %mul3A_129 = arith.constant 16 : i32
      %mul3A_130 = arith.muli %add3A_108, %mul3A_129 : i32
      %swap3A_131 = arith.index_cast %mul3A_130 : i32 to index
      %swap3A_132 = tpu.vector_load %arg10[%swap3A_131] {strides = array<i32>} : memref<20736xf32, #tpu.memory_space<vmem>>, vector<16xf32>,
      tpu.vector_store %arg10[%swap3A_131], %select_n3A_128 {strides = array<i32>} : memref<20736xf32, #tpu.memory_space<vmem>>, vector<16xf32>,
      %reduce_max3A = arith.constant true
      %reduce_max3A_133 = vector.broadcast %reduce_max3A : i1 to vector<16xi1>
      %reduce_max3A_134 = tpu.scan <max>, %select_n3A_128 masked %reduce_max3A_133 : vector<16xf32>, vector<16xi1> -> vector<16xf32>
      %reduce_max3A_135 = vector.extract %reduce_max3A_134[15] : f32 from vector<16xf32>
      %broadcast_in_dim3A_136 = vector.broadcast %add3A_108 : i32 to vector<16xi32>
      %broadcast_in_dim3A_137 = vector.broadcast %reduce_max3A_135 : f32 to vector<16xf32>
      %broadcast_in_dim3A_138 = arith.constant 0 : i32
      %broadcast_in_dim3A_139 = vector.broadcast %broadcast_in_dim3A_138 : i32 to vector<16xi32>
      %eq3A_140 = arith.cmpi eq, %iota3A, %broadcast_in_dim3A_139 : vector<16xi32>
      tpu.vector_store_idx %arg11[%broadcast_in_dim3A_136], %broadcast_in_dim3A_137 masked %eq3A_140 : memref<1296xf32, #tpu.memory_space<vmem>>[vector<16xi32>], vector<16xf32>, vector<16xi1>
      %broadcast_in_dim3A_141 = vector.broadcast %scan3A_81 : i32 to vector<16xi32>
      %broadcast_in_dim3A_142 = vector.broadcast %scan3A_89#0 : f32 to vector<16xf32>
      %broadcast_in_dim3A_143 = arith.constant 0 : i32
      %broadcast_in_dim3A_144 = vector.broadcast %broadcast_in_dim3A_143 : i32 to vector<16xi32>
      %eq3A_145 = arith.cmpi eq, %iota3A, %broadcast_in_dim3A_144 : vector<16xi32>
      tpu.vector_store_idx %arg12[%broadcast_in_dim3A_141], %broadcast_in_dim3A_142 masked %eq3A_145 : memref<32xf32, #tpu.memory_space<vmem>>[vector<16xi32>], vector<16xf32>, vector<16xi1>
      %scan3A_146 = arith.constant 0 : i32
      scf.yield %scan3A_146 : i32
    }
    %scan3A_19 = arith.constant 32 : i32
    %reduce_sum3A = arith.constant true
    %reduce_sum3A_20 = vector.broadcast %reduce_sum3A : i1 to vector<16xi1>
    %reduce_sum3A_21 = tpu.scan <sum>, %scan3A_11#0 masked %reduce_sum3A_20 : vector<16xf32>, vector<16xi1> -> vector<16xf32>
    %reduce_sum3A_22 = vector.extract %reduce_sum3A_21[15] : f32 from vector<16xf32>
    %reduce_sum3A_23 = arith.constant true
    %reduce_sum3A_24 = vector.broadcast %reduce_sum3A_23 : i1 to vector<16xi1>
    %reduce_sum3A_25 = tpu.scan <sum>, %scan3A_11#1 masked %reduce_sum3A_24 : vector<16xf32>, vector<16xi1> -> vector<16xf32>
    %reduce_sum3A_26 = vector.extract %reduce_sum3A_25[15] : f32 from vector<16xf32>
    %reduce_sum3A_27 = arith.constant true
    %reduce_sum3A_28 = vector.broadcast %reduce_sum3A_27 : i1 to vector<16xi1>
    %reduce_sum3A_29 = tpu.scan <sum>, %scan3A_11#2 masked %reduce_sum3A_28 : vector<16xf32>, vector<16xi1> -> vector<16xf32>
    %reduce_sum3A_30 = vector.extract %reduce_sum3A_29[15] : f32 from vector<16xf32>
    %reduce_sum3A_31 = arith.constant true
    %reduce_sum3A_32 = vector.broadcast %reduce_sum3A_31 : i1 to vector<16xi1>
    %reduce_sum3A_33 = tpu.scan <sum>, %scan3A_11#3 masked %reduce_sum3A_32 : vector<16xf32>, vector<16xi1> -> vector<16xf32>
    %reduce_sum3A_34 = vector.extract %reduce_sum3A_33[15] : f32 from vector<16xf32>
    %reduce_sum3A_35 = arith.constant true
    %reduce_sum3A_36 = vector.broadcast %reduce_sum3A_35 : i1 to vector<16xi1>
    %reduce_sum3A_37 = tpu.scan <sum>, %scan3A_11#4 masked %reduce_sum3A_36 : vector<16xf32>, vector<16xi1> -> vector<16xf32>
    %reduce_sum3A_38 = vector.extract %reduce_sum3A_37[15] : f32 from vector<16xf32>
    %reduce_sum3A_39 = arith.constant true
    %reduce_sum3A_40 = vector.broadcast %reduce_sum3A_39 : i1 to vector<16xi1>
    %reduce_sum3A_41 = tpu.scan <sum>, %scan3A_11#5 masked %reduce_sum3A_40 : vector<16xf32>, vector<16xi1> -> vector<16xf32>
    %reduce_sum3A_42 = vector.extract %reduce_sum3A_41[15] : f32 from vector<16xf32>
    %reduce_sum3A_43 = arith.constant true
    %reduce_sum3A_44 = vector.broadcast %reduce_sum3A_43 : i1 to vector<16xi1>
    %reduce_sum3A_45 = tpu.scan <sum>, %scan3A_11#6 masked %reduce_sum3A_44 : vector<16xf32>, vector<16xi1> -> vector<16xf32>
    %reduce_sum3A_46 = vector.extract %reduce_sum3A_45[15] : f32 from vector<16xf32>
    %broadcast_in_dim3A_47 = arith.constant 0 : i32
    %broadcast_in_dim3A_48 = vector.broadcast %broadcast_in_dim3A_47 : i32 to vector<16xi32>
    %eq3A = arith.cmpi eq, %iota3A, %broadcast_in_dim3A_48 : vector<16xi32>
    %broadcast_in_dim3A_49 = vector.broadcast %reduce_sum3A_22 : f32 to vector<16xf32>
    %select_n3A = arith.select %eq3A, %broadcast_in_dim3A_49, %broadcast_in_dim3A_1 : vector<16xi1>, vector<16xf32>
    %broadcast_in_dim3A_50 = arith.constant 1 : i32
    %broadcast_in_dim3A_51 = vector.broadcast %broadcast_in_dim3A_50 : i32 to vector<16xi32>
    %eq3A_52 = arith.cmpi eq, %iota3A, %broadcast_in_dim3A_51 : vector<16xi32>
    %broadcast_in_dim3A_53 = vector.broadcast %reduce_sum3A_26 : f32 to vector<16xf32>
    %select_n3A_54 = arith.select %eq3A_52, %broadcast_in_dim3A_53, %select_n3A : vector<16xi1>, vector<16xf32>
    %broadcast_in_dim3A_55 = arith.constant 2 : i32
    %broadcast_in_dim3A_56 = vector.broadcast %broadcast_in_dim3A_55 : i32 to vector<16xi32>
    %eq3A_57 = arith.cmpi eq, %iota3A, %broadcast_in_dim3A_56 : vector<16xi32>
    %broadcast_in_dim3A_58 = vector.broadcast %reduce_sum3A_30 : f32 to vector<16xf32>
    %select_n3A_59 = arith.select %eq3A_57, %broadcast_in_dim3A_58, %select_n3A_54 : vector<16xi1>, vector<16xf32>
    %broadcast_in_dim3A_60 = arith.constant 3 : i32
    %broadcast_in_dim3A_61 = vector.broadcast %broadcast_in_dim3A_60 : i32 to vector<16xi32>
    %eq3A_62 = arith.cmpi eq, %iota3A, %broadcast_in_dim3A_61 : vector<16xi32>
    %broadcast_in_dim3A_63 = vector.broadcast %reduce_sum3A_34 : f32 to vector<16xf32>
    %select_n3A_64 = arith.select %eq3A_62, %broadcast_in_dim3A_63, %select_n3A_59 : vector<16xi1>, vector<16xf32>
    %broadcast_in_dim3A_65 = arith.constant 4 : i32
    %broadcast_in_dim3A_66 = vector.broadcast %broadcast_in_dim3A_65 : i32 to vector<16xi32>
    %eq3A_67 = arith.cmpi eq, %iota3A, %broadcast_in_dim3A_66 : vector<16xi32>
    %broadcast_in_dim3A_68 = vector.broadcast %reduce_sum3A_38 : f32 to vector<16xf32>
    %select_n3A_69 = arith.select %eq3A_67, %broadcast_in_dim3A_68, %select_n3A_64 : vector<16xi1>, vector<16xf32>
    %broadcast_in_dim3A_70 = arith.constant 5 : i32
    %broadcast_in_dim3A_71 = vector.broadcast %broadcast_in_dim3A_70 : i32 to vector<16xi32>
    %eq3A_72 = arith.cmpi eq, %iota3A, %broadcast_in_dim3A_71 : vector<16xi32>
    %broadcast_in_dim3A_73 = vector.broadcast %reduce_sum3A_42 : f32 to vector<16xf32>
    %select_n3A_74 = arith.select %eq3A_72, %broadcast_in_dim3A_73, %select_n3A_69 : vector<16xi1>, vector<16xf32>
    %broadcast_in_dim3A_75 = arith.constant 6 : i32
    %broadcast_in_dim3A_76 = vector.broadcast %broadcast_in_dim3A_75 : i32 to vector<16xi32>
    %eq3A_77 = arith.cmpi eq, %iota3A, %broadcast_in_dim3A_76 : vector<16xi32>
    %broadcast_in_dim3A_78 = vector.broadcast %reduce_sum3A_46 : f32 to vector<16xf32>
    %select_n3A_79 = arith.select %eq3A_77, %broadcast_in_dim3A_78, %select_n3A_74 : vector<16xi1>, vector<16xf32>
    %swap3A = arith.constant 0 : index
    %swap3A_80 = tpu.vector_load %arg13[%swap3A] {strides = array<i32>} : memref<16xf32, #tpu.memory_space<vmem>>, vector<16xf32>,
    tpu.vector_store %arg13[%swap3A], %select_n3A_79 {strides = array<i32>} : memref<16xf32, #tpu.memory_space<vmem>>, vector<16xf32>,
    "tpu.region"() ({
      %run_scoped3A = tpu.sem_alloc : memref<!tpu.dma_semaphore, #tpu.memory_space<semaphore_mem>>
      %dma_start3A = arith.constant 0 : i32
      %dma_start3A_81 = tpu.memref_slice %arg5[%add3A, %dma_start3A] : memref<32x16xf32, #tpu.memory_space<hbm>> -> memref<1x16xf32, #tpu.memory_space<hbm>>
      %dma_start3A_82 = tpu.memref_squeeze %dma_start3A_81 : memref<1x16xf32, #tpu.memory_space<hbm>> -> memref<16xf32, #tpu.memory_space<hbm>>
      %dma_start3A_83 = arith.constant 0 : i32
      %dma_start3A_84 = tpu.memref_slice %arg5[%add3A, %dma_start3A_83] : memref<32x16xf32, #tpu.memory_space<hbm>> -> memref<1x16xf32, #tpu.memory_space<hbm>>
      %dma_start3A_85 = tpu.memref_squeeze %dma_start3A_84 : memref<1x16xf32, #tpu.memory_space<hbm>> -> memref<16xf32, #tpu.memory_space<hbm>>
      tpu.enqueue_dma source(%arg13 : memref<16xf32, #tpu.memory_space<vmem>>) target(%dma_start3A_85 : memref<16xf32, #tpu.memory_space<hbm>>) target_semaphore(%run_scoped3A : memref<!tpu.dma_semaphore, #tpu.memory_space<semaphore_mem>>)
      %dma_wait3A = arith.constant 0 : i32
      %dma_wait3A_86 = tpu.memref_slice %arg5[%add3A, %dma_wait3A] : memref<32x16xf32, #tpu.memory_space<hbm>> -> memref<1x16xf32, #tpu.memory_space<hbm>>
      %dma_wait3A_87 = tpu.memref_squeeze %dma_wait3A_86 : memref<1x16xf32, #tpu.memory_space<hbm>> -> memref<16xf32, #tpu.memory_space<hbm>>
      %dma_wait3A_88 = arith.constant 0 : i32
      %dma_wait3A_89 = tpu.memref_slice %arg5[%add3A, %dma_wait3A_88] : memref<32x16xf32, #tpu.memory_space<hbm>> -> memref<1x16xf32, #tpu.memory_space<hbm>>
      %dma_wait3A_90 = tpu.memref_squeeze %dma_wait3A_89 : memref<1x16xf32, #tpu.memory_space<hbm>> -> memref<16xf32, #tpu.memory_space<hbm>>
      tpu.wait_dma2 semaphore(%run_scoped3A : memref<!tpu.dma_semaphore, #tpu.memory_space<semaphore_mem>>) src(%arg13 : memref<16xf32, #tpu.memory_space<vmem>>) dst(%dma_wait3A_90 : memref<16xf32, #tpu.memory_space<hbm>>)
      tpu.yield
    }) : () -> ()
    "tpu.region"() ({
      %run_scoped3A = tpu.sem_alloc : memref<!tpu.dma_semaphore, #tpu.memory_space<semaphore_mem>>
      %dma_start3A = arith.constant 0 : i32
      %dma_start3A_81 = tpu.memref_slice %arg6[%add3A, %dma_start3A] : memref<32x32xf32, #tpu.memory_space<hbm>> -> memref<1x32xf32, #tpu.memory_space<hbm>>
      %dma_start3A_82 = tpu.memref_squeeze %dma_start3A_81 : memref<1x32xf32, #tpu.memory_space<hbm>> -> memref<32xf32, #tpu.memory_space<hbm>>
      %dma_start3A_83 = arith.constant 0 : i32
      %dma_start3A_84 = tpu.memref_slice %arg6[%add3A, %dma_start3A_83] : memref<32x32xf32, #tpu.memory_space<hbm>> -> memref<1x32xf32, #tpu.memory_space<hbm>>
      %dma_start3A_85 = tpu.memref_squeeze %dma_start3A_84 : memref<1x32xf32, #tpu.memory_space<hbm>> -> memref<32xf32, #tpu.memory_space<hbm>>
      tpu.enqueue_dma source(%arg12 : memref<32xf32, #tpu.memory_space<vmem>>) target(%dma_start3A_85 : memref<32xf32, #tpu.memory_space<hbm>>) target_semaphore(%run_scoped3A : memref<!tpu.dma_semaphore, #tpu.memory_space<semaphore_mem>>)
      %dma_wait3A = arith.constant 0 : i32
      %dma_wait3A_86 = tpu.memref_slice %arg6[%add3A, %dma_wait3A] : memref<32x32xf32, #tpu.memory_space<hbm>> -> memref<1x32xf32, #tpu.memory_space<hbm>>
      %dma_wait3A_87 = tpu.memref_squeeze %dma_wait3A_86 : memref<1x32xf32, #tpu.memory_space<hbm>> -> memref<32xf32, #tpu.memory_space<hbm>>
      %dma_wait3A_88 = arith.constant 0 : i32
      %dma_wait3A_89 = tpu.memref_slice %arg6[%add3A, %dma_wait3A_88] : memref<32x32xf32, #tpu.memory_space<hbm>> -> memref<1x32xf32, #tpu.memory_space<hbm>>
      %dma_wait3A_90 = tpu.memref_squeeze %dma_wait3A_89 : memref<1x32xf32, #tpu.memory_space<hbm>> -> memref<32xf32, #tpu.memory_space<hbm>>
      tpu.wait_dma2 semaphore(%run_scoped3A : memref<!tpu.dma_semaphore, #tpu.memory_space<semaphore_mem>>) src(%arg12 : memref<32xf32, #tpu.memory_space<vmem>>) dst(%dma_wait3A_90 : memref<32xf32, #tpu.memory_space<hbm>>)
      tpu.yield
    }) : () -> ()
    return
  }
}

module attributes {stable_mosaic.version = 14 : i64} {
  func.func @body(%arg0: i32, %arg1: memref<648x128xf32, #tpu.memory_space<vmem>>, %arg2: memref<32x16xf32, #tpu.memory_space<vmem>>, %arg3: memref<8x128xf32, #tpu.memory_space<vmem>>, %arg4: memref<1x128xf32, #tpu.memory_space<vmem>>, %arg5: memref<1x128xi32, #tpu.memory_space<vmem>>, %arg6: memref<8x128xf32, #tpu.memory_space<vmem>>) attributes {dimension_semantics = [#tpu.dimension_semantics<arbitrary>], iteration_bounds = array<i64: 8>, scalar_prefetch = 0 : i64, scratch_operands = 1 : i64, tpu.core_type = #tpu.core_type<tc>, window_params = [{transform_indices = @transform_0, window_bounds = array<i64: 648, 128>}, {pipeline_mode = #tpu.pipeline_mode<synchronous>, transform_indices = @transform_1, window_bounds = array<i64: 32, 16>}, {pipeline_mode = #tpu.pipeline_mode<synchronous>, transform_indices = @transform_2, window_bounds = array<i64: 8, 128>}, {pipeline_mode = #tpu.pipeline_mode<synchronous>, transform_indices = @transform_3, window_bounds = array<i64: 1, 128>}, {pipeline_mode = #tpu.pipeline_mode<synchronous>, transform_indices = @transform_4, window_bounds = array<i64: 1, 128>}]} {
    %eq3A = arith.constant 0 : i32
    %eq3A_0 = arith.cmpi eq, %arg0, %eq3A : i32
    %convert_element_type3A = arith.extui %eq3A_0 : i1 to i32
    %cond3A = arith.constant 0 : i32
    %cond3A_1 = arith.cmpi ne, %convert_element_type3A, %cond3A : i32
    scf.if %cond3A_1 {
      %broadcast_in_dim3A = arith.constant 0.000000e+00 : f32
      %broadcast_in_dim3A_25 = vector.broadcast %broadcast_in_dim3A : f32 to vector<8x128xf32>
      %swap3A_26 = arith.constant 0 : index
      %swap3A_27 = arith.constant 0 : index
      %swap3A_28 = vector.load %arg6[%swap3A_26, %swap3A_27] : memref<8x128xf32, #tpu.memory_space<vmem>>, vector<8x128xf32>
      tpu.vector_store %arg6[%swap3A_26, %swap3A_27], %broadcast_in_dim3A_25 {strides = array<i32>} : memref<8x128xf32, #tpu.memory_space<vmem>>, vector<8x128xf32>,
    } else {
    }
    %get3A = arith.constant 0 : index
    %get3A_2 = arith.constant 0 : index
    %get3A_3 = vector.load %arg1[%get3A, %get3A_2] : memref<648x128xf32, #tpu.memory_space<vmem>>, vector<648x128xf32>
    %neg3A = arith.constant 0.000000e+00 : f32
    %neg3A_4 = vector.broadcast %neg3A : f32 to vector<648x128xf32>
    %neg3A_5 = arith.subf %neg3A_4, %get3A_3 : vector<648x128xf32>
    %max3A = arith.constant 0.000000e+00 : f32
    %max3A_6 = vector.broadcast %max3A : f32 to vector<648x128xf32>
    %max3A_7 = arith.maximumf %neg3A_5, %max3A_6 : vector<648x128xf32>
    %abs3A = math.absf %neg3A_5 : vector<648x128xf32>
    %neg3A_8 = arith.constant 0.000000e+00 : f32
    %neg3A_9 = vector.broadcast %neg3A_8 : f32 to vector<648x128xf32>
    %neg3A_10 = arith.subf %neg3A_9, %abs3A : vector<648x128xf32>
    %exp3A = math.exp %neg3A_10 : vector<648x128xf32>
    %log1p3A = math.log1p %exp3A : vector<648x128xf32>
    %add3A = arith.addf %max3A_7, %log1p3A : vector<648x128xf32>
    %min3A = arith.constant 1.000000e+02 : f32
    %min3A_11 = vector.broadcast %min3A : f32 to vector<648x128xf32>
    %min3A_12 = arith.minimumf %add3A, %min3A_11 : vector<648x128xf32>
    %get3A_13 = arith.constant 0 : index
    %get3A_14 = arith.constant 0 : index
    %get3A_15 = vector.load %arg6[%get3A_13, %get3A_14] : memref<8x128xf32, #tpu.memory_space<vmem>>, vector<8x128xf32>
    %reshape3A = vector.shape_cast %min3A_12 : vector<648x128xf32> to vector<81x8x128xf32>
    %reduce_sum3A = arith.constant dense<0.000000e+00> : vector<8x128xf32>
    %reduce_sum3A_16 = vector.multi_reduction <add>, %reshape3A, %reduce_sum3A [0] : vector<81x8x128xf32> to vector<8x128xf32>
    %add3A_17 = arith.addf %get3A_15, %reduce_sum3A_16 : vector<8x128xf32>
    %swap3A = arith.constant 0 : index
    %swap3A_18 = arith.constant 0 : index
    %swap3A_19 = vector.load %arg6[%swap3A, %swap3A_18] : memref<8x128xf32, #tpu.memory_space<vmem>>, vector<8x128xf32>
    tpu.vector_store %arg6[%swap3A, %swap3A_18], %add3A_17 {strides = array<i32>} : memref<8x128xf32, #tpu.memory_space<vmem>>, vector<8x128xf32>,
    %eq3A_20 = arith.constant 7 : i32
    %eq3A_21 = arith.cmpi eq, %arg0, %eq3A_20 : i32
    %convert_element_type3A_22 = arith.extui %eq3A_21 : i1 to i32
    %cond3A_23 = arith.constant 0 : i32
    %cond3A_24 = arith.cmpi ne, %convert_element_type3A_22, %cond3A_23 : i32
    scf.if %cond3A_24 {
      %get3A_25 = arith.constant 0 : index
      %get3A_26 = arith.constant 0 : index
      %get3A_27 = vector.load %arg6[%get3A_25, %get3A_26] : memref<8x128xf32, #tpu.memory_space<vmem>>, vector<8x128xf32>
      %reduce_sum3A_28 = vector.shape_cast %get3A_27 : vector<8x128xf32> to vector<1x8x128xf32>
      %reduce_sum3A_29 = arith.constant dense<0.000000e+00> : vector<1xf32>
      %reduce_sum3A_30 = vector.multi_reduction <add>, %reduce_sum3A_28, %reduce_sum3A_29 [1, 2] : vector<1x8x128xf32> to vector<1xf32>
      %reduce_sum3A_31 = vector.shape_cast %reduce_sum3A_30 : vector<1xf32> to vector<1x1x1xf32>
      %reduce_sum3A_32 = vector.extract %reduce_sum3A_31[0, 0, 0] : f32 from vector<1x1x1xf32>
      %get3A_33 = arith.constant 0 : index
      %get3A_34 = arith.constant 0 : index
      %get3A_35 = vector.load %arg2[%get3A_33, %get3A_34] : memref<32x16xf32, #tpu.memory_space<vmem>>, vector<32x16xf32>
      %slice3A = vector.extract_strided_slice %get3A_35 {offsets = [0, 0], sizes = [32, 1], strides = [1, 1]} : vector<32x16xf32> to vector<32x1xf32>
      %squeeze3A = vector.shape_cast %slice3A : vector<32x1xf32> to vector<32xf32>
      %reduce_sum3A_36 = vector.shape_cast %squeeze3A : vector<32xf32> to vector<1x32xf32>
      %reduce_sum3A_37 = arith.constant dense<0.000000e+00> : vector<1xf32>
      %reduce_sum3A_38 = vector.multi_reduction <add>, %reduce_sum3A_36, %reduce_sum3A_37 [1] : vector<1x32xf32> to vector<1xf32>
      %reduce_sum3A_39 = vector.shape_cast %reduce_sum3A_38 : vector<1xf32> to vector<1x1xf32>
      %reduce_sum3A_40 = vector.extract %reduce_sum3A_39[0, 0] : f32 from vector<1x1xf32>
      %slice3A_41 = vector.extract_strided_slice %get3A_35 {offsets = [0, 1], sizes = [32, 1], strides = [1, 1]} : vector<32x16xf32> to vector<32x1xf32>
      %squeeze3A_42 = vector.shape_cast %slice3A_41 : vector<32x1xf32> to vector<32xf32>
      %reduce_sum3A_43 = vector.shape_cast %squeeze3A_42 : vector<32xf32> to vector<1x32xf32>
      %reduce_sum3A_44 = arith.constant dense<0.000000e+00> : vector<1xf32>
      %reduce_sum3A_45 = vector.multi_reduction <add>, %reduce_sum3A_43, %reduce_sum3A_44 [1] : vector<1x32xf32> to vector<1xf32>
      %reduce_sum3A_46 = vector.shape_cast %reduce_sum3A_45 : vector<1xf32> to vector<1x1xf32>
      %reduce_sum3A_47 = vector.extract %reduce_sum3A_46[0, 0] : f32 from vector<1x1xf32>
      %slice3A_48 = vector.extract_strided_slice %get3A_35 {offsets = [0, 2], sizes = [32, 1], strides = [1, 1]} : vector<32x16xf32> to vector<32x1xf32>
      %squeeze3A_49 = vector.shape_cast %slice3A_48 : vector<32x1xf32> to vector<32xf32>
      %reduce_sum3A_50 = vector.shape_cast %squeeze3A_49 : vector<32xf32> to vector<1x32xf32>
      %reduce_sum3A_51 = arith.constant dense<0.000000e+00> : vector<1xf32>
      %reduce_sum3A_52 = vector.multi_reduction <add>, %reduce_sum3A_50, %reduce_sum3A_51 [1] : vector<1x32xf32> to vector<1xf32>
      %reduce_sum3A_53 = vector.shape_cast %reduce_sum3A_52 : vector<1xf32> to vector<1x1xf32>
      %reduce_sum3A_54 = vector.extract %reduce_sum3A_53[0, 0] : f32 from vector<1x1xf32>
      %slice3A_55 = vector.extract_strided_slice %get3A_35 {offsets = [0, 3], sizes = [32, 1], strides = [1, 1]} : vector<32x16xf32> to vector<32x1xf32>
      %squeeze3A_56 = vector.shape_cast %slice3A_55 : vector<32x1xf32> to vector<32xf32>
      %reduce_sum3A_57 = vector.shape_cast %squeeze3A_56 : vector<32xf32> to vector<1x32xf32>
      %reduce_sum3A_58 = arith.constant dense<0.000000e+00> : vector<1xf32>
      %reduce_sum3A_59 = vector.multi_reduction <add>, %reduce_sum3A_57, %reduce_sum3A_58 [1] : vector<1x32xf32> to vector<1xf32>
      %reduce_sum3A_60 = vector.shape_cast %reduce_sum3A_59 : vector<1xf32> to vector<1x1xf32>
      %reduce_sum3A_61 = vector.extract %reduce_sum3A_60[0, 0] : f32 from vector<1x1xf32>
      %slice3A_62 = vector.extract_strided_slice %get3A_35 {offsets = [0, 4], sizes = [32, 1], strides = [1, 1]} : vector<32x16xf32> to vector<32x1xf32>
      %squeeze3A_63 = vector.shape_cast %slice3A_62 : vector<32x1xf32> to vector<32xf32>
      %reduce_sum3A_64 = vector.shape_cast %squeeze3A_63 : vector<32xf32> to vector<1x32xf32>
      %reduce_sum3A_65 = arith.constant dense<0.000000e+00> : vector<1xf32>
      %reduce_sum3A_66 = vector.multi_reduction <add>, %reduce_sum3A_64, %reduce_sum3A_65 [1] : vector<1x32xf32> to vector<1xf32>
      %reduce_sum3A_67 = vector.shape_cast %reduce_sum3A_66 : vector<1xf32> to vector<1x1xf32>
      %reduce_sum3A_68 = vector.extract %reduce_sum3A_67[0, 0] : f32 from vector<1x1xf32>
      %slice3A_69 = vector.extract_strided_slice %get3A_35 {offsets = [0, 5], sizes = [32, 1], strides = [1, 1]} : vector<32x16xf32> to vector<32x1xf32>
      %squeeze3A_70 = vector.shape_cast %slice3A_69 : vector<32x1xf32> to vector<32xf32>
      %reduce_sum3A_71 = vector.shape_cast %squeeze3A_70 : vector<32xf32> to vector<1x32xf32>
      %reduce_sum3A_72 = arith.constant dense<0.000000e+00> : vector<1xf32>
      %reduce_sum3A_73 = vector.multi_reduction <add>, %reduce_sum3A_71, %reduce_sum3A_72 [1] : vector<1x32xf32> to vector<1xf32>
      %reduce_sum3A_74 = vector.shape_cast %reduce_sum3A_73 : vector<1xf32> to vector<1x1xf32>
      %reduce_sum3A_75 = vector.extract %reduce_sum3A_74[0, 0] : f32 from vector<1x1xf32>
      %slice3A_76 = vector.extract_strided_slice %get3A_35 {offsets = [0, 6], sizes = [32, 1], strides = [1, 1]} : vector<32x16xf32> to vector<32x1xf32>
      %squeeze3A_77 = vector.shape_cast %slice3A_76 : vector<32x1xf32> to vector<32xf32>
      %reduce_sum3A_78 = vector.shape_cast %squeeze3A_77 : vector<32xf32> to vector<1x32xf32>
      %reduce_sum3A_79 = arith.constant dense<0.000000e+00> : vector<1xf32>
      %reduce_sum3A_80 = vector.multi_reduction <add>, %reduce_sum3A_78, %reduce_sum3A_79 [1] : vector<1x32xf32> to vector<1xf32>
      %reduce_sum3A_81 = vector.shape_cast %reduce_sum3A_80 : vector<1xf32> to vector<1x1xf32>
      %reduce_sum3A_82 = vector.extract %reduce_sum3A_81[0, 0] : f32 from vector<1x1xf32>
      %min3A_83 = arith.constant 3.200000e+01 : f32
      %min3A_84 = arith.minimumf %reduce_sum3A_47, %min3A_83 : f32
      %iota3A = tpu.iota {dimensions = array<i32: 1>} : vector<1x128xi32>
      %iota3A_85 = tpu.iota {dimensions = array<i32: 0>} : vector<8x128xi32>
      %mul3A = arith.constant 128 : i32
      %mul3A_86 = vector.broadcast %mul3A : i32 to vector<8x128xi32>
      %mul3A_87 = arith.muli %iota3A_85, %mul3A_86 : vector<8x128xi32>
      %iota3A_88 = tpu.iota {dimensions = array<i32: 1>} : vector<8x128xi32>
      %add3A_89 = arith.addi %mul3A_87, %iota3A_88 : vector<8x128xi32>
      %broadcast_in_dim3A = arith.constant 0xFF800000 : f32
      %broadcast_in_dim3A_90 = vector.broadcast %broadcast_in_dim3A : f32 to vector<1x128xf32>
      %get3A_91 = arith.constant 0 : index
      %get3A_92 = arith.constant 0 : index
      %get3A_93 = vector.load %arg3[%get3A_91, %get3A_92] : memref<8x128xf32, #tpu.memory_space<vmem>>, vector<8x128xf32>
      %scan3A = arith.constant 0 : i32
      %scan3A_94 = arith.constant 32 : i32
      %scan3A_95 = arith.addi %scan3A, %scan3A_94 : i32
      %scan3A_96 = arith.constant 1 : i32
      %scan3A_97:2 = scf.for %scan3A_224 = %scan3A to %scan3A_95 step %scan3A_96 iter_args(%scan3A_225 = %get3A_93, %scan3A_226 = %broadcast_in_dim3A_90) -> (vector<8x128xf32>, vector<1x128xf32>)  : i32 {
        %reduce_max3A = vector.shape_cast %scan3A_225 : vector<8x128xf32> to vector<1x8x128xf32>
        %reduce_max3A_227 = arith.constant dense<0xFF800000> : vector<1xf32>
        %reduce_max3A_228 = vector.multi_reduction <maximumf>, %reduce_max3A, %reduce_max3A_227 [1, 2] : vector<1x8x128xf32> to vector<1xf32>
        %reduce_max3A_229 = vector.shape_cast %reduce_max3A_228 : vector<1xf32> to vector<1x1x1xf32>
        %reduce_max3A_230 = vector.extract %reduce_max3A_229[0, 0, 0] : f32 from vector<1x1x1xf32>
        %eq3A_231 = vector.broadcast %scan3A_224 : i32 to vector<1x128xi32>
        %eq3A_232 = arith.cmpi eq, %iota3A, %eq3A_231 : vector<1x128xi32>
        %broadcast_in_dim3A_233 = vector.broadcast %reduce_max3A_230 : f32 to vector<1x128xf32>
        %select_n3A_234 = arith.select %eq3A_232, %broadcast_in_dim3A_233, %scan3A_226 : vector<1x128xi1>, vector<1x128xf32>
        %eq3A_235 = vector.broadcast %reduce_max3A_230 : f32 to vector<8x128xf32>
        %eq3A_236 = arith.cmpf oeq, %scan3A_225, %eq3A_235 : vector<8x128xf32>
        %jit3A_237 = arith.constant 1073741824 : i32
        %broadcast_in_dim3A_238 = vector.broadcast %jit3A_237 : i32 to vector<8x128xi32>
        %select_n3A_239 = arith.select %eq3A_236, %add3A_89, %broadcast_in_dim3A_238 : vector<8x128xi1>, vector<8x128xi32>
        %reduce_min3A = vector.shape_cast %select_n3A_239 : vector<8x128xi32> to vector<1x8x128xi32>
        %reduce_min3A_240 = arith.constant dense<2147483647> : vector<1xi32>
        %reduce_min3A_241 = vector.multi_reduction <minsi>, %reduce_min3A, %reduce_min3A_240 [1, 2] : vector<1x8x128xi32> to vector<1xi32>
        %reduce_min3A_242 = vector.shape_cast %reduce_min3A_241 : vector<1xi32> to vector<1x1x1xi32>
        %reduce_min3A_243 = vector.extract %reduce_min3A_242[0, 0, 0] : i32 from vector<1x1x1xi32>
        %eq3A_244 = vector.broadcast %reduce_min3A_243 : i32 to vector<8x128xi32>
        %eq3A_245 = arith.cmpi eq, %add3A_89, %eq3A_244 : vector<8x128xi32>
        %and3A_246 = arith.andi %eq3A_236, %eq3A_245 : vector<8x128xi1>
        %jit3A_247 = arith.constant 0xFF800000 : f32
        %broadcast_in_dim3A_248 = vector.broadcast %jit3A_247 : f32 to vector<8x128xf32>
        %select_n3A_249 = arith.select %and3A_246, %broadcast_in_dim3A_248, %scan3A_225 : vector<8x128xi1>, vector<8x128xf32>
        scf.yield %select_n3A_249, %select_n3A_234 : vector<8x128xf32>, vector<1x128xf32>
      }
      %scan3A_98 = arith.constant 32 : i32
      %convert_element_type3A_99 = arith.sitofp %iota3A : vector<1x128xi32> to vector<1x128xf32>
      %lt3A = vector.broadcast %min3A_84 : f32 to vector<1x128xf32>
      %lt3A_100 = arith.cmpf olt, %convert_element_type3A_99, %lt3A : vector<1x128xf32>
      %max3A_101 = arith.constant 0.000000e+00 : f32
      %max3A_102 = vector.broadcast %max3A_101 : f32 to vector<1x128xf32>
      %max3A_103 = arith.maximumf %scan3A_97#1, %max3A_102 : vector<1x128xf32>
      %abs3A_104 = math.absf %scan3A_97#1 : vector<1x128xf32>
      %neg3A_105 = arith.constant 0.000000e+00 : f32
      %neg3A_106 = vector.broadcast %neg3A_105 : f32 to vector<1x128xf32>
      %neg3A_107 = arith.subf %neg3A_106, %abs3A_104 : vector<1x128xf32>
      %exp3A_108 = math.exp %neg3A_107 : vector<1x128xf32>
      %log1p3A_109 = math.log1p %exp3A_108 : vector<1x128xf32>
      %add3A_110 = arith.addf %max3A_103, %log1p3A_109 : vector<1x128xf32>
      %min3A_111 = arith.constant 1.000000e+02 : f32
      %min3A_112 = vector.broadcast %min3A_111 : f32 to vector<1x128xf32>
      %min3A_113 = arith.minimumf %add3A_110, %min3A_112 : vector<1x128xf32>
      %jit3A = arith.constant 0.000000e+00 : f32
      %broadcast_in_dim3A_114 = vector.broadcast %jit3A : f32 to vector<1x128xf32>
      %select_n3A = arith.select %lt3A_100, %min3A_113, %broadcast_in_dim3A_114 : vector<1x128xi1>, vector<1x128xf32>
      %reduce_sum3A_115 = vector.shape_cast %select_n3A : vector<1x128xf32> to vector<1x1x128xf32>
      %reduce_sum3A_116 = arith.constant dense<0.000000e+00> : vector<1xf32>
      %reduce_sum3A_117 = vector.multi_reduction <add>, %reduce_sum3A_115, %reduce_sum3A_116 [1, 2] : vector<1x1x128xf32> to vector<1xf32>
      %reduce_sum3A_118 = vector.shape_cast %reduce_sum3A_117 : vector<1xf32> to vector<1x1x1xf32>
      %reduce_sum3A_119 = vector.extract %reduce_sum3A_118[0, 0, 0] : f32 from vector<1x1x1xf32>
      %lt3A_120 = arith.constant 0.000000e+00 : f32
      %lt3A_121 = vector.broadcast %lt3A_120 : f32 to vector<1x128xf32>
      %lt3A_122 = arith.cmpf olt, %scan3A_97#1, %lt3A_121 : vector<1x128xf32>
      %and3A = arith.andi %lt3A_100, %lt3A_122 : vector<1x128xi1>
      %jit3A_123 = arith.constant 1.000000e+00 : f32
      %jit3A_124 = arith.constant 0.000000e+00 : f32
      %broadcast_in_dim3A_125 = vector.broadcast %jit3A_123 : f32 to vector<1x128xf32>
      %broadcast_in_dim3A_126 = vector.broadcast %jit3A_124 : f32 to vector<1x128xf32>
      %select_n3A_127 = arith.select %and3A, %broadcast_in_dim3A_125, %broadcast_in_dim3A_126 : vector<1x128xi1>, vector<1x128xf32>
      %reduce_sum3A_128 = vector.shape_cast %select_n3A_127 : vector<1x128xf32> to vector<1x1x128xf32>
      %reduce_sum3A_129 = arith.constant dense<0.000000e+00> : vector<1xf32>
      %reduce_sum3A_130 = vector.multi_reduction <add>, %reduce_sum3A_128, %reduce_sum3A_129 [1, 2] : vector<1x1x128xf32> to vector<1xf32>
      %reduce_sum3A_131 = vector.shape_cast %reduce_sum3A_130 : vector<1xf32> to vector<1x1x1xf32>
      %reduce_sum3A_132 = vector.extract %reduce_sum3A_131[0, 0, 0] : f32 from vector<1x1x1xf32>
      %max3A_133 = arith.constant 1.000000e+00 : f32
      %max3A_134 = arith.maximumf %reduce_sum3A_40, %max3A_133 : f32
      %div3A = arith.divf %reduce_sum3A_32, %max3A_134 : f32
      %max3A_135 = arith.constant 1.000000e+00 : f32
      %max3A_136 = arith.maximumf %min3A_84, %max3A_135 : f32
      %div3A_137 = arith.divf %reduce_sum3A_119, %max3A_136 : f32
      %gt3A = arith.constant 5.000000e-01 : f32
      %gt3A_138 = arith.cmpf ogt, %reduce_sum3A_40, %gt3A : f32
      %mul3A_139 = arith.constant 5.000000e-01 : f32
      %mul3A_140 = arith.mulf %mul3A_139, %div3A : f32
      %mul3A_141 = arith.constant 5.000000e-01 : f32
      %mul3A_142 = arith.mulf %mul3A_141, %div3A_137 : f32
      %add3A_143 = arith.addf %mul3A_140, %mul3A_142 : f32
      %mul3A_144 = arith.constant 5.000000e-01 : f32
      %mul3A_145 = arith.mulf %mul3A_144, %div3A_137 : f32
      %select_n3A_146 = arith.select %gt3A_138, %add3A_143, %mul3A_145 : f32
      %div3A_147 = arith.divf %reduce_sum3A_61, %max3A_134 : f32
      %jit3A_148 = arith.constant 0.000000e+00 : f32
      %select_n3A_149 = arith.select %gt3A_138, %div3A_147, %jit3A_148 : f32
      %div3A_150 = arith.divf %reduce_sum3A_68, %max3A_134 : f32
      %jit3A_151 = arith.constant 0.000000e+00 : f32
      %select_n3A_152 = arith.select %gt3A_138, %div3A_150, %jit3A_151 : f32
      %div3A_153 = arith.divf %reduce_sum3A_75, %max3A_134 : f32
      %jit3A_154 = arith.constant 0.000000e+00 : f32
      %select_n3A_155 = arith.select %gt3A_138, %div3A_153, %jit3A_154 : f32
      %div3A_156 = arith.divf %reduce_sum3A_82, %max3A_134 : f32
      %jit3A_157 = arith.constant 0.000000e+00 : f32
      %select_n3A_158 = arith.select %gt3A_138, %div3A_156, %jit3A_157 : f32
      %add3A_159 = arith.addf %select_n3A_146, %select_n3A_149 : f32
      %add3A_160 = arith.addf %add3A_159, %select_n3A_152 : f32
      %add3A_161 = arith.addf %add3A_160, %select_n3A_155 : f32
      %add3A_162 = arith.addf %add3A_161, %select_n3A_158 : f32
      %broadcast_in_dim3A_163 = arith.constant 0.000000e+00 : f32
      %broadcast_in_dim3A_164 = vector.broadcast %broadcast_in_dim3A_163 : f32 to vector<1x128xf32>
      %eq3A_165 = arith.constant 0 : i32
      %eq3A_166 = vector.broadcast %eq3A_165 : i32 to vector<1x128xi32>
      %eq3A_167 = arith.cmpi eq, %iota3A, %eq3A_166 : vector<1x128xi32>
      %broadcast_in_dim3A_168 = vector.broadcast %add3A_162 : f32 to vector<1x128xf32>
      %select_n3A_169 = arith.select %eq3A_167, %broadcast_in_dim3A_168, %broadcast_in_dim3A_164 : vector<1x128xi1>, vector<1x128xf32>
      %eq3A_170 = arith.constant 1 : i32
      %eq3A_171 = vector.broadcast %eq3A_170 : i32 to vector<1x128xi32>
      %eq3A_172 = arith.cmpi eq, %iota3A, %eq3A_171 : vector<1x128xi32>
      %broadcast_in_dim3A_173 = vector.broadcast %select_n3A_146 : f32 to vector<1x128xf32>
      %select_n3A_174 = arith.select %eq3A_172, %broadcast_in_dim3A_173, %select_n3A_169 : vector<1x128xi1>, vector<1x128xf32>
      %eq3A_175 = arith.constant 2 : i32
      %eq3A_176 = vector.broadcast %eq3A_175 : i32 to vector<1x128xi32>
      %eq3A_177 = arith.cmpi eq, %iota3A, %eq3A_176 : vector<1x128xi32>
      %broadcast_in_dim3A_178 = vector.broadcast %select_n3A_149 : f32 to vector<1x128xf32>
      %select_n3A_179 = arith.select %eq3A_177, %broadcast_in_dim3A_178, %select_n3A_174 : vector<1x128xi1>, vector<1x128xf32>
      %eq3A_180 = arith.constant 3 : i32
      %eq3A_181 = vector.broadcast %eq3A_180 : i32 to vector<1x128xi32>
      %eq3A_182 = arith.cmpi eq, %iota3A, %eq3A_181 : vector<1x128xi32>
      %broadcast_in_dim3A_183 = vector.broadcast %select_n3A_152 : f32 to vector<1x128xf32>
      %select_n3A_184 = arith.select %eq3A_182, %broadcast_in_dim3A_183, %select_n3A_179 : vector<1x128xi1>, vector<1x128xf32>
      %eq3A_185 = arith.constant 4 : i32
      %eq3A_186 = vector.broadcast %eq3A_185 : i32 to vector<1x128xi32>
      %eq3A_187 = arith.cmpi eq, %iota3A, %eq3A_186 : vector<1x128xi32>
      %broadcast_in_dim3A_188 = vector.broadcast %select_n3A_155 : f32 to vector<1x128xf32>
      %select_n3A_189 = arith.select %eq3A_187, %broadcast_in_dim3A_188, %select_n3A_184 : vector<1x128xi1>, vector<1x128xf32>
      %eq3A_190 = arith.constant 5 : i32
      %eq3A_191 = vector.broadcast %eq3A_190 : i32 to vector<1x128xi32>
      %eq3A_192 = arith.cmpi eq, %iota3A, %eq3A_191 : vector<1x128xi32>
      %broadcast_in_dim3A_193 = vector.broadcast %select_n3A_158 : f32 to vector<1x128xf32>
      %select_n3A_194 = arith.select %eq3A_192, %broadcast_in_dim3A_193, %select_n3A_189 : vector<1x128xi1>, vector<1x128xf32>
      %swap3A_195 = arith.constant 0 : index
      %swap3A_196 = arith.constant 0 : index
      %swap3A_197 = vector.load %arg4[%swap3A_195, %swap3A_196] : memref<1x128xf32, #tpu.memory_space<vmem>>, vector<1x128xf32>
      tpu.vector_store %arg4[%swap3A_195, %swap3A_196], %select_n3A_194 {strides = array<i32>} : memref<1x128xf32, #tpu.memory_space<vmem>>, vector<1x128xf32>,
      %broadcast_in_dim3A_198 = arith.constant 0.000000e+00 : f32
      %broadcast_in_dim3A_199 = vector.broadcast %broadcast_in_dim3A_198 : f32 to vector<1x128xf32>
      %eq3A_200 = arith.constant 0 : i32
      %eq3A_201 = vector.broadcast %eq3A_200 : i32 to vector<1x128xi32>
      %eq3A_202 = arith.cmpi eq, %iota3A, %eq3A_201 : vector<1x128xi32>
      %broadcast_in_dim3A_203 = vector.broadcast %reduce_sum3A_54 : f32 to vector<1x128xf32>
      %select_n3A_204 = arith.select %eq3A_202, %broadcast_in_dim3A_203, %broadcast_in_dim3A_199 : vector<1x128xi1>, vector<1x128xf32>
      %eq3A_205 = arith.constant 1 : i32
      %eq3A_206 = vector.broadcast %eq3A_205 : i32 to vector<1x128xi32>
      %eq3A_207 = arith.cmpi eq, %iota3A, %eq3A_206 : vector<1x128xi32>
      %broadcast_in_dim3A_208 = vector.broadcast %reduce_sum3A_40 : f32 to vector<1x128xf32>
      %select_n3A_209 = arith.select %eq3A_207, %broadcast_in_dim3A_208, %select_n3A_204 : vector<1x128xi1>, vector<1x128xf32>
      %eq3A_210 = arith.constant 2 : i32
      %eq3A_211 = vector.broadcast %eq3A_210 : i32 to vector<1x128xi32>
      %eq3A_212 = arith.cmpi eq, %iota3A, %eq3A_211 : vector<1x128xi32>
      %broadcast_in_dim3A_213 = vector.broadcast %reduce_sum3A_132 : f32 to vector<1x128xf32>
      %select_n3A_214 = arith.select %eq3A_212, %broadcast_in_dim3A_213, %select_n3A_209 : vector<1x128xi1>, vector<1x128xf32>
      %eq3A_215 = arith.constant 3 : i32
      %eq3A_216 = vector.broadcast %eq3A_215 : i32 to vector<1x128xi32>
      %eq3A_217 = arith.cmpi eq, %iota3A, %eq3A_216 : vector<1x128xi32>
      %broadcast_in_dim3A_218 = vector.broadcast %min3A_84 : f32 to vector<1x128xf32>
      %select_n3A_219 = arith.select %eq3A_217, %broadcast_in_dim3A_218, %select_n3A_214 : vector<1x128xi1>, vector<1x128xf32>
      %convert_element_type3A_220 = arith.fptosi %select_n3A_219 : vector<1x128xf32> to vector<1x128xi32>
      %swap3A_221 = arith.constant 0 : index
      %swap3A_222 = arith.constant 0 : index
      %swap3A_223 = vector.load %arg5[%swap3A_221, %swap3A_222] : memref<1x128xi32, #tpu.memory_space<vmem>>, vector<1x128xi32>
      tpu.vector_store %arg5[%swap3A_221, %swap3A_222], %convert_element_type3A_220 {strides = array<i32>} : memref<1x128xi32, #tpu.memory_space<vmem>>, vector<1x128xi32>,
    } else {
    }
    return
  }
  func.func @transform_0(%arg0: i32) -> (i32, i32) {
    %c0_i32 = arith.constant 0 : i32
    %c0_i32_0 = arith.constant 0 : i32
    return %arg0, %c0_i32 : i32, i32
  }
  func.func @transform_1(%arg0: i32) -> (i32, i32) {
    %c0_i32 = arith.constant 0 : i32
    %c0_i32_0 = arith.constant 0 : i32
    %c0_i32_1 = arith.constant 0 : i32
    return %c0_i32, %c0_i32_0 : i32, i32
  }
  func.func @transform_2(%arg0: i32) -> (i32, i32) {
    %c0_i32 = arith.constant 0 : i32
    %c0_i32_0 = arith.constant 0 : i32
    %c0_i32_1 = arith.constant 0 : i32
    return %c0_i32, %c0_i32_0 : i32, i32
  }
  func.func @transform_3(%arg0: i32) -> (i32, i32) {
    %c0_i32 = arith.constant 0 : i32
    %c0_i32_0 = arith.constant 0 : i32
    %c0_i32_1 = arith.constant 0 : i32
    return %c0_i32, %c0_i32_0 : i32, i32
  }
  func.func @transform_4(%arg0: i32) -> (i32, i32) {
    %c0_i32 = arith.constant 0 : i32
    %c0_i32_0 = arith.constant 0 : i32
    %c0_i32_1 = arith.constant 0 : i32
    return %c0_i32, %c0_i32_0 : i32, i32
  }
}

</mosaic_0001>

<sc_bundles>
// kernel: kernel.4.cloned.1.call-start
scs
__scs_entry_jumppad:
0x0: {  	(pc) =	sbr.rel $0x88, $3  }
0x1: {  	(tag) =	ssettag $0x0;
	lr =	simm.s32 $0x1  }
0x2: {  	[smem:$0x3F9F] =	sst lr;
	_ =	strace $0xD0000000  }
0x3: {  	_ = 	snop  }
0x4: {  	_ = 	snop  }
0x5: {  	_ = 	snop  }
0x6: {  	_ = 	snop  }
0x7: {  	_ = 	snop  }
__scs_overlays_trampoline_lowered:
0x8: {  	[smem:$0x3FAE] =	sst s0  }
0x9: {  	[smem:$0x3FAF] =	sst s1  }
0xa: {  	[smem:$0x3FB0] =	sst s2  }
0xb: {  	[smem:$0x3FB1] =	sst s3  }
0xc: {  	[smem:$0x3FB2] =	sst s4  }
0xd: {  	[smem:$0x3FB3] =	sst s5  }
0xe: {  	[smem:$0x3FB4] =	sst s6  }
0xf: {  	[smem:$0x3FB5] =	sst s7  }
0x10: {  	[smem:$0x3FB6] =	sst s8  }
0x11: {  	[smem:$0x3FB7] =	sst s9;
	s0 =	simm.s32 @!p0 $0x0  }
0x12: {  	s1 =	sld [smem:$0x3F9D];
	s0 =	simm.s32 @p0 $0x1  }
0x13: {  	[smem:$0x3FB8] =	sst s0;
	s0 =	simm.s32 @!p1 $0x0  }
0x14: {  	s2 =	sld [smem:$0x3F9C];
	s0 =	simm.s32 @p1 $0x1  }
0x15: {  	[smem:$0x3FB9] =	sst s0;
	s0 =	simm.s32 @!p2 $0x0  }
0x16: {  	s3 =	sld [smem:$0x3FDB];
	s0 =	simm.s32 @p2 $0x1  }
0x17: {  	s4 =	simm.s32 $0x1BF5;
	[smem:$0x3FBB] =	sst s0  }
0x18: {  	s0 =	sld [smem:$0x3F9E];
	_ =	swait.ge [sflag:s4], $0x0  }
0x19: {  	s7 =	sld [smem:$0x3F9F]  }
0x1a: {  	s8 =	sadd.s32 $0xFFFFE003, lr  }
0x1b: {  	s9 =	sadd.s32 $0xFFFFFEF7, lr;
	s5 =	simm.s32 $0xFFFFFFFF;
	p2 =	slt.u32 s8, $0xFFFFF086  }
0x1c: {  	p1 =	slt.u32 s9, $0xF7A;
	s5 =	simm.s32 @!p2 $0x0  }
0x1d: {  	s5 =	simm.s32 @p1 $0x1;
	p0 =	seq.s32 s7, s2  }
0x1e: {  	s7 =	smul.u32 @!p0 $0xF7A, s2;
	p2 =	seq.s32 @!p0 s5, $0x0  }
0x1f: {  	s9 =	smul.u32 $0xF7A, s1;
	s8 =	simm.s32 @!p0 $0x1BF5;
	p2 =	por !p2, p0  }
0x20: {  	[sflag:s8] =	ssyncset.s32 @!p0 $0xFFFFF086;
	s6 =	sadd.s32 @!p0 s3, s7;
	s7 =	simm.s32 @!p0 $0x108  }
0x21: {  	s3 =	sadd.s32 s3, s9;
	s6 =	sadd.s32 @!p0 $0x88, s6;
	s7 =	simm.s32 @p2 $0x1082  }
0x22: {  	[simem:s7], [sflag:s8] =	dma.local @!p0 [hbm:s6], $0xF7A  }
0x23: {  	s9 =	sor.u32 $0xD0000000, s2;
	s6 =	simm.s32 $0x108;
	_ =	swait.ge @!p0 [sflag:s8], $0x0  }
0x24: {  	s3 =	sadd.s32 $0x88, s3;
	s6 =	simm.s32 @!p1 $0x1082;
	[sflag:s4] =	ssyncset.s32 $0xFFFFF086  }
0x25: {  	[simem:s6], [sflag:s4] =	dma.local [hbm:s3], $0xF7A  }
0x26: {  	[smem:$0x3F9F] =	sst s1;
	(tag) =	ssettag s2;
	_ =	strace s9  }
0x27: {  	s1 =	sld [smem:$0x3FAF]  }
0x28: {  	s2 =	sld [smem:$0x3FB0]  }
0x29: {  	s4 =	sld [smem:$0x3FB2]  }
0x2a: {  	p0 =	seq.s32 s5, $0x0;
	s5 =	sld [smem:$0x3FB3]  }
0x2b: {  	s6 =	sld [smem:$0x3FB4]  }
0x2c: {  	s7 =	sld [smem:$0x3FB5]  }
0x2d: {  	s3 =	simm.s32 $0x108;
	s8 =	sld [smem:$0x3FB6]  }
0x2e: {  	s3 =	simm.s32 @!p0 $0x1082;
	s9 =	sld [smem:$0x3FB7]  }
0x2f: {  	lr =	sadd.s32 s0, s3;
	s0 =	sld [smem:$0x3FAE]  }
0x30: {  	s3 =	sld [smem:$0x3FB1]  }
0x31: {  	[smem:$0x3FBA] =	sst s10  }
0x32: {  	s10 =	sld [smem:$0x3FB8];
	_ =	sdelay $0x3  }
0x33: {  	p0 =	seq.s32 s10, $0x1;
	s10 =	sld [smem:$0x3FBA];
	_ =	sdelay $0x3  }
0x34: {  	[smem:$0x3FBA] =	sst s10  }
0x35: {  	s10 =	sld [smem:$0x3FB9];
	_ =	sdelay $0x3  }
0x36: {  	p1 =	seq.s32 s10, $0x1;
	s10 =	sld [smem:$0x3FBA];
	_ =	sdelay $0x3  }
0x37: {  	[smem:$0x3FBA] =	sst s10  }
0x38: {  	s10 =	sld [smem:$0x3FBB]  }
0x39: {  	_ = 	snop;
	(pc) =	sbr.ind lr, $3  }
0x3a: {  	_ = 	snop  }
0x3b: {  	_ = 	snop  }
0x3c: {  	p2 =	seq.s32 s10, $0x1;
	s10 =	sld [smem:$0x3FBA]  }
0x3d: {  	_ =	shalt  }
0x3e: {  	_ =	shalt  }
0x3f: {  	_ =	shalt  }
0x40: {  	_ =	shalt  }
0x41: {  	_ =	shalt  }
0x42: {  	_ =	shalt  }
0x43: {  	_ =	shalt  }
0x44: {  	_ =	shalt  }
0x45: {  	_ =	shalt  }
0x46: {  	_ =	shalt  }
0x47: {  	_ =	shalt  }
0x48: {  	_ =	shalt  }
0x49: {  	_ =	shalt  }
0x4a: {  	_ =	shalt  }
0x4b: {  	_ =	shalt  }
0x4c: {  	_ =	shalt  }
0x4d: {  	_ =	shalt  }
0x4e: {  	_ =	shalt  }
0x4f: {  	_ =	shalt  }
0x50: {  	_ =	shalt  }
0x51: {  	_ =	shalt  }
0x52: {  	_ =	shalt  }
0x53: {  	_ =	shalt  }
0x54: {  	_ =	shalt  }
0x55: {  	_ =	shalt  }
0x56: {  	_ =	shalt  }
0x57: {  	_ =	shalt  }
0x58: {  	_ =	shalt  }
0x59: {  	_ =	shalt  }
0x5a: {  	_ =	shalt  }
0x5b: {  	_ =	shalt  }
0x5c: {  	_ =	shalt  }
0x5d: {  	_ =	shalt  }
0x5e: {  	_ =	shalt  }
0x5f: {  	_ =	shalt  }
0x60: {  	_ =	shalt  }
0x61: {  	_ =	shalt  }
0x62: {  	_ =	shalt  }
0x63: {  	_ =	shalt  }
0x64: {  	_ =	shalt  }
0x65: {  	_ =	shalt  }
0x66: {  	_ =	shalt  }
0x67: {  	_ =	shalt  }
0x68: {  	_ =	shalt  }
0x69: {  	_ =	shalt  }
0x6a: {  	_ =	shalt  }
0x6b: {  	_ =	shalt  }
0x6c: {  	_ =	shalt  }
0x6d: {  	_ =	shalt  }
0x6e: {  	_ =	shalt  }
0x6f: {  	_ =	shalt  }
0x70: {  	_ =	shalt  }
0x71: {  	_ =	shalt  }
0x72: {  	_ =	shalt  }
0x73: {  	_ =	shalt  }
0x74: {  	_ =	shalt  }
0x75: {  	_ =	shalt  }
0x76: {  	_ =	shalt  }
0x77: {  	_ =	shalt  }
0x78: {  	_ =	shalt  }
0x79: {  	_ =	shalt  }
0x7a: {  	_ =	shalt  }
0x7b: {  	_ =	shalt  }
0x7c: {  	_ =	shalt  }
0x7d: {  	_ =	shalt  }
0x7e: {  	_ =	shalt  }
0x7f: {  	_ =	shalt  }
0x80: {  	_ =	shalt  }
0x81: {  	_ =	shalt  }
0x82: {  	_ =	shalt  }
0x83: {  	_ =	shalt  }
0x84: {  	_ =	shalt  }
0x85: {  	_ =	shalt  }
0x86: {  	_ =	shalt  }
0x87: {  	_ =	shalt  }
.Lfunc_end0:
.L_simem_size_0:
called_computation_lowered:
.L_overlay_start_0:
0x88: {  	s2 =	sld [smem:$0x3FD9]  }
0x89: {  	s3 =	sld [smem:$0x3FFE];
	_ =	sdelay $0x1  }
0x8a: {  	s1 =	srdreg.scid  }
0x8b: {  	s0 =	sand.u32 $0x1, s1  }
0x8c: {  	s16 =	sshll.u32 s0, $0xA;
	s2 =	sadd.s32 s3, s2  }
0x8d: {  	s2 =	sadd.s32 s2, s16  }
0x8e: {  	[smem:$0x3FC6] =	sst s2  }
0x8f: {  	_ = 	snop  }
0x90: {  	(tm) =	ssettm $0x1  }
0x91: {  	s17 =	sld [smem:$0x3FFB];
	_ =	sdelay $0x3  }
0x92: {  	_ =	strace s17  }
0x93: {  	s2 =	sld [smem:$0x3FFC];
	_ =	sdelay $0x3  }
0x94: {  	_ =	strace s2  }
0x95: {  	s2 =	sld [smem:$0x3FFD];
	_ =	sdelay $0x3  }
0x96: {  	_ =	strace s2  }
0x97: {  	_ =	strace $0x8FFFFFFF  }
0x98: {  	s18 =	sld [smem:$0x3FDB];
	_ =	sdelay $0x1  }
0x99: {  	s19 =	simm.s32 $_scs_section_size  }
0x9a: {  	s4 =	simm.s32 $_size__tile_overlayer_lowered;
	s5 =	simm.s32 $_tile_overlayer_lowered  }
0x9b: {  	s22 =	simm.s32 $0x1BFF;
	s21 =	sshll.u32 s5, $0x1;
	s2 =	sadd.s32 s19, s18  }
0x9c: {  	s6 =	simm.s32 $0x0;
	s20 =	sshll.u32 s4, $0x1;
	s4 =	sadd.s32 s21, s2  }
0x9d: {  	[timem:s6], [sflag:s22] =	dma.local [hbm:s4], s20  }
0x9e: {  	_ =	swait.ge [sflag:s22], s20  }
0x9f: {  	s3 =	ssub.s32 $0x0, s20;
	[sflag:s22] =	ssyncset.done $0x0  }
0xa0: {  	[sflag:s22] =	ssyncadd.s32 s3;
	_ =	sdelay $0x1  }
0xa1: {  	s23 =	simm.s32 $0x1B8B  }
0xa2: {  	_ =	swait.ge [sflag:s23], $0x1  }
0xa3: {  	[sflag:s23] =	ssyncset.done $0x0  }
0xa4: {  	s25 =	simm.s32 $0x1B8E;
	s24 =	sld [smem:$0x3FFE];
	[sflag:s23] =	ssyncadd.s32 $0xFFFFFFFF  }
0xa5: {  	s26 =	simm.s32 $execute0_lowered;
	[smem:$0x3FD2] =	sst s25  }
0xa6: {  	s4 =	sshll.u32 s26, $0x1;
	_ =	strace $0x80000046;
	[dreg:$0x1] =	wrdreg $0xFFFFFFFF  }
0xa7: {  	s28 =	simm.s32 $_size_execute0_lowered;
	s2 =	sadd.s32 s2, s4;
	[dreg:$0x0] =	wrdreg $0x0  }
0xa8: {  	s4 =	sshll.u32 s28, $0x1;
	[dreg:$0x2] =	wrdreg s2  }
0xa9: {  	[dreg:$0x3] =	wrdreg s4  }
0xaa: {  	[dreg:$0x4] =	wrdreg $0xC0  }
0xab: {  	_ =	task [dreg:s6], $0x5FFFF  }
0xac: {  	[dreg:$0x1] =	wrdreg $0xFFFFFFFF  }
0xad: {  	[dreg:$0x0] =	wrdreg $0x60  }
0xae: {  	[dreg:$0x2] =	wrdreg s24  }
0xaf: {  	[dreg:$0x3] =	wrdreg $0x9  }
0xb0: {  	_ =	task.clear_ibuf [dreg:s6], $0x4FFFF;
	_ =	strace $0x90000046  }
0xb1: {  	s29 =	simm.s32 $0x9;
	_ =	strace $0x80000048  }
0xb2: {  	_ =	swait.ge [sflag:s29], $0x1  }
0xb3: {  	[sflag:s29] =	ssyncadd.s32 $0xFFFFFFFF  }
0xb4: {  	_ =	strace $0x90000048  }
0xb5: {  	_ =	sfence  }
0xb6: {  	s30 =	sld [smem:$0x0];
	_ =	sdelay $0x2  }
0xb7: {  	s31 =	sshll.u32 s1, $0xD;
	s1 =	sshrl.u32 s1, $0x2  }
0xb8: {  	s3 =	sand.u32 $0x4000, s31;
	s1 =	sadd.s32 s1, s30  }
0xb9: {  	s0 =	sor.u32 s3, s0;
	s1 =	sshll.u32 s1, $0x11  }
0xba: {  	s0 =	sor.u32 s1, s0  }
0xbb: {  	s0 =	sadd.s32 $0x8F2B, s0  }
0xbc: {  	[sflag:s0] =	ssyncadd.remote.s32 $0x1  }
0xbd: {  	_ =	sfence.sel $0xFFFF  }
0xbe: {  	[dreg:$0x0] =	wrdreg $0xFFFFFFFF;
	(pc) =	sbr.abs _section_cstart, $3  }
0xbf: {  	[dreg:$0x1] =	wrdreg $0xFFFFFFFF  }
0xc0: {  	_ =	task.clear_ibuf [dreg:s6], $0x2FFFF;
	_ =	strace $0x9FFFFFFF  }
0xc1: {  	(tm) =	ssettm $0x7FFFFFFF  }
tec
execute0_lowered:
.L_overlay_start_1:
0x0: {  	(tag) =	ssettag $0x1  }
0x1: {  	s6 =	rddreg [dreg:$0x0]  }
0x2: {  	s0 =	rddreg [dreg:$0x1];
	s2 =	simm.s32 $0x0  }
0x3: {  	s3 =	srdreg.scid;
	s1 =	stileid.u32;
	s11 =	simm.s32 $0x1  }
0x4: {  	s12 =	simm.s32 $0x2D00;
	s13 =	simm.s32 $0xB400;
	s14 =	simm.s32 $0x5A00  }
0x5: {  	s15 =	simm.s32 $0xB980;
	s16 =	simm.s32 $0xBA00;
	s17 =	simm.s32 $0x0  }
0x6: {  	[smem:$0x7FF] =	sst s2;
	s7 =	sand.u32 $0x1, s3;
	s5 =	sshll.u32 s1, $0x1  }
0x7: {  	s3 =	sadd.s32 $0x1200, s6;
	s4 =	sadd.s32 $0x66600, s6;
	s8 =	sor.u32 s7, s5  }
0x8: {  	v0 =	vlaneseq.u32;
	s5 =	sadd.s32 $0xCBC00, s6;
	s7 =	ssub.s32 $0x2, s7;
	s9 =	sshll.u32 s8, $0x4  }
0x9: {  	v1 =	vimm.f32 $0.0e+00;
	vm0 =	vmmov $0x1;
	vm1 =	vcmask $0x31C;
	s10 =	sshrl.u32 s7, $0x1;
	s9 =	sadd.s32 s9, s6;
	s6 =	smul.u32 $0x24, s8  }
0xa: {  	vm2 =	vcmask $0x71C;
	vm3 =	vcmask $0xB1C;
	vm4 =	vcmask $0xF1C;
	_ =	strace $0x80000047;
	s10 =	ssub.s32 s7, s10;
	s7 =	smul.u32 $0x5100, s8  }
0xb: {  	vm5 =	vcmask $0x131C;
	vm6 =	vcmask $0x171C;
	v2 =	vor.u32 $0x80000000, v0;
	s8 =	sadd.s32 $0xE0000, s9;
	s9 =	sadd.s32 $0xCBA00, s9;
	s10 =	smax.u32 s10, $0x1  }
.LBB2_1:
0xc: {  	v3 =	vimm.f32 $0.0e+00  }
0xd: {  	v4 =	vimm.f32 $0.0e+00;
	v5 =	vimm.f32 $0.0e+00;
	v6 =	vimm.f32 $0.0e+00  }
0xe: {  	s18 =	simm.s32 $0x6300;
	s19 =	simm.s32 $0x0;
	v7 =	vimm.f32 $0.0e+00;
	v8 =	vimm.f32 $0.0e+00;
	v9 =	vimm.f32 $0.0e+00;
	s20 =	simm.s32 $0x0  }
.LBB2_2:
0xf: {  	s21 =	sshll.u32 s20, $0x2  }
0x10: {  	s21 =	sadd.s32 s6, s21  }
0x11: {  	s22 =	smul.u32 $0x168, s21  }
0x12: {  	s21 =	simm.s32 $0x0  }
0x13: {  	s30 =	smulhi.u32 $0x38E38E39, s21;
	s23 =	sadd.s32 s3, s22  }
0x14: {  	[tilespmem:s21], [sflag:$0x1] =	stream.linear.gather [hbm4b:s23+s21], $0x2D00, $0x38;
	[tilespmem:$0xBA80] =	vst v63  }
0x15: {  	_ =	swait.ge [sflag:s11], $0x2D00  }
0x16: {  	s31 =	sshrl.u32 s30, $0x3;
	[sflag:s11] =	ssyncset.done $0x0  }
0x17: {  	s22 =	sadd.s32 s4, s22;
	s23 =	smul.u32 $0x2400, s31;
	[sflag:s11] =	ssyncadd.s32 $0xFFFFD300  }
0x18: {  	[tilespmem:s12], [sflag:$0x1] =	stream.linear.gather [hbm4b:s22+s21], $0x2D00, $0x38;
	[tilespmem:$0xBA80] =	vst v63  }
0x19: {  	_ =	swait.ge [sflag:s11], $0x2D00  }
0x1a: {  	s23 =	sshra.s32 s23, $0x2;
	[sflag:s11] =	ssyncset.done $0x0  }
0x1b: {  	s23 =	sadd.s32 $0x0, s23;
	[sflag:s11] =	ssyncadd.s32 $0xFFFFD300  }
0x1c: {  	s22 =	smul.u32 $0x900, s31;
	v11 =	vld [tilespmem:s23+$0x2F40]  }
0x1d: {  	v17 =	vld [tilespmem:s23+$0x0]  }
0x1e: {  	s22 =	sadd.s32 $0x0, s22;
	v13 =	vld [tilespmem:s23+$0x240]  }
0x1f: {  	s22 =	sand.u32 $0xFFFFFFF0, s22;
	v16 =	vld [tilespmem:s23+$0x2D00]  }
0x20: {  	v18 =	vld [tilespmem:s22+$0x3600]  }
0x21: {  	v10 =	vmov s18;
	v19 =	vld [tilespmem:s22+$0x900];
	_ =	sdelay $0x1  }
0x22: {  	v12 =	vld [tilespmem:s22+$0x3180];
	v11 =	vsub.f32 v13, v11  }
0x23: {  	s24 =	simm.s32 $0x1;
	v14 =	vld [tilespmem:s22+$0x480];
	vm8 =	vlt.f32 v16, $-5.000000000e-01;
	vm9 =	vge.f32 v17, $0.0e+00  }
0x24: {  	s28 =	simm.s32 $0x0;
	s29 =	smulhi.u32 $0x38E38E39, s24;
	v15 =	vld [tilespmem:s23+$0x33C0];
	vm7 =	vgt.f32 v16, $5.000000000e-01;
	v21 =	vnsel vm8, $0xFF800000, v17;
	v20 =	vmul.f32 $5.000000000e-01, v11  }
0x25: {  	s26 =	sadd.s32 $0x0, s19;
	s25 =	simm.s32 $0x80;
	v16 =	vld [tilespmem:s23+$0x6C0];
	v13 =	vsub.f32 v19, v18;
	v19 =	vnsel vm7, $0x42C80000, v17;
	[tilespmem:v10+s28+$0x0 ss:$0x1] =	vst.idx.msk $0xffff, v21;
	(xrf0) =	vmax.scan.msk.f32 $0xffff, v21  }
0x26: {  	s29 =	sshrl.u32 s29, $0x3;
	s22 =	simm.s32 $0x40;
	s23 =	sadd.s32 $0x1, s19;
	v18 =	vsel vm7, $0x3F800000, v1;
	v17 =	vand.u32 $0x7FFFFFFF, v11;
	[tilespmem:s28+$0x5A00] =	vst v19;
	v11 =	vmul.f32 v20, v11  }
.LBB2_3:
0x27: {  	p0 =	sne.s32 s25, $0x23C0;
	s28 =	smul.u32 $0x2400, s29;
	v19 =	vsel vm8, $0x3F800000, v1;
	vm8 =	vmand vm9, vm7;
	s21 =	sadd.s32 $0x10, s21  }
0x28: {  	s30 =	smov.u32 s25;
	s25 =	sadd.s32 $0x40, s25;
	v8 =	vadd.f32 v19, v8;
	v19 =	vsel vm8, $0x3F800000, v1  }
0x29: {  	s31 =	sshra.s32 s28, $0x2;
	s28 =	sshra.s32 s22, $0x2;
	v7 =	vadd.f32 v19, v7;
	v19 =	vmov s26;
	s22 =	smov.u32 s30  }
0x2a: {  	v9 =	vadd.f32 v18, v9;
	v18 =	vadd.f32 $-5.000000000e-01, v17;
	s30 =	smul.u32 $0x900, s29;
	s26 =	smov.u32 s23;
	s29 =	sadd.s32 s28, s31  }
0x2b: {  	v12 =	vsub.f32 v14, v12;
	vm8 =	vlt.f32 v17, $1.000000000e+00;
	v14 =	vsub.f32 v16, v15;
	v15, _, _ =	vpop (xrf0)  }
0x2c: {  	v17 =	vmul.f32 $5.000000000e-01, v13;
	v16 =	vand.u32 $0x7FFFFFFF, v13;
	s23 =	sadd.s32 s30, s21;
	v15 =	vbroadcast v15, $0xF  }
0x2d: {  	v20 =	vmul.f32 $5.000000000e-01, v12;
	vm9 =	vlt.f32 v16, $1.000000000e+00;
	v21 =	vmul.f32 $5.000000000e-01, v14;
	s23 =	sand.u32 $0xFFFFFFF0, s23  }
0x2e: {  	v22 =	vand.u32 $0x7FFFFFFF, v12;
	v13 =	vmul.f32 v17, v13;
	v23 =	vand.u32 $0x7FFFFFFF, v14;
	[tilespmem:v19+s13+$0x0] =	vst.idx.msk $0x1, v15  }
0x2f: {  	v12 =	vmul.f32 v20, v12;
	v17 =	vadd.f32 $-5.000000000e-01, v23;
	v14 =	vmul.f32 v21, v14;
	v15 =	vld [tilespmem:s29+$0x2F40]  }
0x30: {  	v16 =	vadd.f32 $-5.000000000e-01, v16;
	v20 =	vadd.f32 $-5.000000000e-01, v22;
	vm10 =	vlt.f32 v23, $1.000000000e+00;
	v19 =	vld [tilespmem:s29+$0x0]  }
0x31: {  	v11 =	vsel vm8, v11, v18;
	vm8 =	vlt.f32 v22, $1.000000000e+00;
	v14 =	vsel vm10, v14, v17;
	v21 =	vld [tilespmem:s29+$0x240]  }
0x32: {  	v13 =	vsel vm9, v13, v16;
	v12 =	vsel vm8, v12, v20;
	v14 =	vnsel vm7, $0x0, v14;
	v17 =	vld [tilespmem:s29+$0x2D00]  }
0x33: {  	v13 =	vnsel vm7, $0x0, v13;
	v12 =	vnsel vm7, $0x0, v12;
	v4 =	vadd.f32 v14, v4;
	v18 =	vld [tilespmem:s23+$0x3600]  }
0x34: {  	v11 =	vnsel vm7, $0x0, v11;
	v3 =	vadd.f32 v13, v3;
	v5 =	vadd.f32 v12, v5;
	v20 =	vld [tilespmem:s23+$0x900]  }
0x35: {  	v6 =	vadd.f32 v11, v6;
	v12 =	vld [tilespmem:s23+$0x3180]  }
.Ltmp0:
0x36: {  	v11 =	vsub.f32 v21, v15;
	v14 =	vld [tilespmem:s23+$0x480];
	(pc) =	sbr.rel @p0 .LBB2_3-.Ltmp0, $4  }
0x37: {  	s24 =	sadd.s32 $0x1, s24;
	vm9 =	vge.f32 v19, $0.0e+00;
	vm8 =	vlt.f32 v17, $-5.000000000e-01;
	v15 =	vld [tilespmem:s29+$0x33C0]  }
0x38: {  	s30 =	smulhi.u32 $0x38E38E39, s24;
	s23 =	sadd.s32 s24, s19;
	vm7 =	vgt.f32 v17, $5.000000000e-01;
	v21 =	vmul.f32 $5.000000000e-01, v11;
	v16 =	vld [tilespmem:s29+$0x6C0];
	v17 =	vnsel vm8, $0xFF800000, v19  }
0x39: {  	v19 =	vnsel vm7, $0x42C80000, v19;
	v13 =	vsub.f32 v20, v18;
	[tilespmem:v10+s28+$0x0 ss:$0x1] =	vst.idx.msk $0xffff, v17;
	(xrf0) =	vmax.scan.msk.f32 $0xffff, v17  }
0x3a: {  	s29 =	sshrl.u32 s30, $0x3;
	v18 =	vsel vm7, $0x3F800000, v1;
	v17 =	vand.u32 $0x7FFFFFFF, v11;
	v11 =	vmul.f32 v21, v11;
	[tilespmem:s28+$0x5A00] =	vst v19  }
0x3b: {  	_ =	sdelay $0x1  }
0x3c: {  	v19 =	vmov s26;
	_ =	sdelay $0x1  }
0x3d: {  	s24 =	smul.u32 $0x2400, s29;
	v21, _, _ =	vpop (xrf0)  }
0x3e: {  	v26 =	vbroadcast v21, $0xF  }
0x3f: {  	s22 =	sshra.s32 s22, $0x2;
	s24 =	sshra.s32 s24, $0x2  }
0x40: {  	v20 =	vsel vm8, $0x3F800000, v1;
	s24 =	sadd.s32 s22, s24;
	[tilespmem:v19+s13+$0x0] =	vst.idx.msk $0x1, v26  }
0x41: {  	vm8 =	vmand vm9, vm7;
	v9 =	vadd.f32 v18, v9;
	v12 =	vsub.f32 v14, v12;
	s25 =	smul.u32 $0x900, s29;
	v33 =	vld [tilespmem:s24+$0x2F40]  }
0x42: {  	v28 =	vadd.f32 $-5.000000000e-01, v17;
	v29 =	vmul.f32 $5.000000000e-01, v13;
	v30 =	vand.u32 $0x7FFFFFFF, v13;
	s21 =	sadd.s32 $0x10, s21;
	v23 =	vld [tilespmem:s24+$0x0]  }
0x43: {  	v53 =	vmov s23;
	v8 =	vadd.f32 v20, v8;
	v25 =	vsel vm8, $0x3F800000, v1;
	s21 =	sadd.s32 s25, s21;
	v37 =	vld [tilespmem:s24+$0x2D00]  }
0x44: {  	vm8 =	vlt.f32 v17, $1.000000000e+00;
	vm12 =	vlt.f32 v30, $1.000000000e+00;
	v17 =	vadd.f32 $-5.000000000e-01, v30;
	s21 =	sand.u32 $0xFFFFFFF0, s21;
	v24 =	vld [tilespmem:s24+$0x240]  }
0x45: {  	v7 =	vadd.f32 v25, v7;
	v27 =	vsub.f32 v16, v15;
	v31 =	vmul.f32 $5.000000000e-01, v12;
	v39 =	vld [tilespmem:s21+$0x3600]  }
0x46: {  	v34 =	vand.u32 $0x7FFFFFFF, v12;
	v35 =	vmul.f32 v29, v13;
	v11 =	vsel vm8, v11, v28;
	v40 =	vld [tilespmem:s21+$0x900]  }
0x47: {  	v38 =	vadd.f32 $-5.000000000e-01, v34;
	vm8 =	vlt.f32 v34, $1.000000000e+00;
	v32 =	vmul.f32 $5.000000000e-01, v27;
	v41 =	vld [tilespmem:s21+$0x3180]  }
0x48: {  	v11 =	vnsel vm7, $0x0, v11;
	v22 =	vand.u32 $0x7FFFFFFF, v27;
	v12 =	vmul.f32 v31, v12;
	v43 =	vld [tilespmem:s21+$0x480]  }
0x49: {  	v6 =	vadd.f32 v11, v6;
	v36 =	vadd.f32 $-5.000000000e-01, v22;
	v14 =	vmul.f32 v32, v27;
	v11 =	vld [tilespmem:s24+$0x33C0]  }
0x4a: {  	v13 =	vsel vm12, v35, v17;
	vm10 =	vlt.f32 v22, $1.000000000e+00;
	v12 =	vsel vm8, v12, v38;
	v46 =	vld [tilespmem:s24+$0x6C0]  }
0x4b: {  	v13 =	vnsel vm7, $0x0, v13;
	v12 =	vnsel vm7, $0x0, v12;
	v14 =	vsel vm10, v14, v36  }
0x4c: {  	v3 =	vadd.f32 v13, v3;
	v5 =	vadd.f32 v12, v5;
	v14 =	vnsel vm7, $0x0, v14  }
0x4d: {  	v4 =	vadd.f32 v14, v4;
	vm8 =	vlt.f32 v37, $-5.000000000e-01;
	v42 =	vsub.f32 v24, v33  }
0x4e: {  	vm13 =	vge.f32 v23, $0.0e+00;
	vm7 =	vgt.f32 v37, $5.000000000e-01;
	v15 =	vsub.f32 v40, v39  }
0x4f: {  	v14 =	vsub.f32 v43, v41;
	v11 =	vsub.f32 v46, v11;
	v44 =	vnsel vm8, $0xFF800000, v23  }
0x50: {  	v47 =	vnsel vm7, $0x42C80000, v23;
	vm9 =	vmand vm13, vm7;
	v48 =	vsel vm7, $0x3F800000, v1;
	(xrf0) =	vmax.scan.msk.f32 $0xffff, v44  }
0x51: {  	v49 =	vsel vm8, $0x3F800000, v1;
	v45 =	vmul.f32 $5.000000000e-01, v42;
	v50 =	vsel vm9, $0x3F800000, v1  }
0x52: {  	v51 =	vand.u32 $0x7FFFFFFF, v42;
	v8 =	vadd.f32 v49, v8;
	v9 =	vadd.f32 v48, v9  }
0x53: {  	v55 =	vmul.f32 $5.000000000e-01, v15;
	v56 =	vand.u32 $0x7FFFFFFF, v15;
	v57 =	vmul.f32 $5.000000000e-01, v14  }
0x54: {  	v58 =	vmul.f32 $5.000000000e-01, v11;
	v59 =	vand.u32 $0x7FFFFFFF, v14;
	v25 =	vand.u32 $0x7FFFFFFF, v11  }
0x55: {  	s30 =	smul.u32 $0x900, s20;
	v7 =	vadd.f32 v50, v7;
	v52 =	vadd.f32 $-5.000000000e-01, v51;
	vm8 =	vlt.f32 v51, $1.000000000e+00  }
0x56: {  	vm14 =	vlt.f32 v56, $1.000000000e+00;
	v60 =	vadd.f32 $-5.000000000e-01, v25;
	v12 =	vmul.f32 v45, v42;
	v54, _, _ =	vpop (xrf0)  }
0x57: {  	s20 =	sadd.s32 $0x1, s20;
	s21 =	sadd.s32 s7, s30;
	[tilespmem:v10+s22+$0x0 ss:$0x1] =	vst.idx.msk $0xffff, v44;
	v61 =	vadd.f32 $-5.000000000e-01, v59;
	v10 =	vmul.f32 v55, v15;
	v17 =	vbroadcast v54, $0xF  }
0x58: {  	p0 =	sne.s32 s20, $0x9;
	s21 =	sshrl.u32 s21, $0x3;
	[tilespmem:s22+$0x5A00] =	vst v47;
	v62 =	vadd.f32 $-5.000000000e-01, v56;
	v14 =	vmul.f32 v57, v14;
	v11 =	vmul.f32 v58, v11  }
.Ltmp1:
0x59: {  	s31 =	sadd.s32 s5, s21;
	s21 =	simm.s32 $0x0;
	vm15 =	vlt.f32 v25, $1.000000000e+00;
	v12 =	vsel vm8, v12, v52;
	vm8 =	vlt.f32 v59, $1.000000000e+00;
	[tilespmem:v53+s13+$0x0] =	vst.idx.msk $0x1, v17;
	(pc) =	sbr.rel @p0 .LBB2_2-.Ltmp1, $4  }
0x5a: {  	v11 =	vsel vm15, v11, v60;
	v10 =	vsel vm14, v10, v62;
	v63 =	vsel vm8, v14, v61;
	[hbm4b:s31+s21] =	stream.linear.scatter [tilespmem:s14], [sflag:$0x1], $0x900, $0x38;
	[tilespmem:$0xBA80] =	vst v63  }
0x5b: {  	v11 =	vnsel vm7, $0x0, v11;
	v10 =	vnsel vm7, $0x0, v10;
	v13 =	vnsel vm7, $0x0, v63;
	_ =	swait.ge [sflag:s11], $0x900  }
0x5c: {  	v4 =	vadd.f32 v11, v4;
	v11 =	vnsel vm7, $0x0, v12;
	v3 =	vadd.f32 v10, v3;
	[sflag:s11] =	ssyncset.done $0x0  }
0x5d: {  	s18 =	sadd.s32 $0x900, s18;
	s19 =	sadd.s32 $0x90, s19;
	v5 =	vadd.f32 v13, v5;
	v6 =	vadd.f32 v11, v6;
	[sflag:s11] =	ssyncadd.s32 $0xFFFFF700  }
.LBB2_5:
0x5e: {  	s18 =	simm.s32 $0xB400  }
0x5f: {  	v10 =	vld [tilespmem:s18+$0x0];
	_ =	sdelay $0x4  }
0x60: {  	(xrf0) =	vmax.scan.msk.f32 $0xffff, v10;
	_ =	sdelay $0x5  }
0x61: {  	v10, _, _ =	vpop (xrf0)  }
0x62: {  	(v2sf) =	vpush v10, $0xF;
	_ =	sdelay $0x1  }
0x63: {  	s25 =	simm.s32 $0xB410  }
0x64: {  	v10 =	vld [tilespmem:s25+$0x0]  }
0x65: {  	s26 =	simm.s32 $0xB420  }
0x66: {  	v11 =	vld [tilespmem:s26+$0x0];
	_ =	sdelay $0x2  }
0x67: {  	(xrf0) =	vmax.scan.msk.f32 $0xffff, v10;
	_ =	sdelay $0x1  }
0x68: {  	(xrf0) =	vmax.scan.msk.f32 $0xffff, v11;
	_ =	sdelay $0x2  }
0x69: {  	s30 =	simm.s32 $0xB430  }
0x6a: {  	v12 =	vld [tilespmem:s30+$0x0];
	v11, _, _ =	vpop (xrf0)  }
0x6b: {  	s28 =	spop (v2sf);
	(v2sf) =	vpush v11, $0xF  }
0x6c: {  	v11, _, _ =	vpop (xrf0)  }
0x6d: {  	(v2sf) =	vpush v11, $0xF;
	_ =	sdelay $0x1  }
0x6e: {  	s31 =	simm.s32 $0xB440;
	(xrf0) =	vmax.scan.msk.f32 $0xffff, v12  }
0x6f: {  	v10 =	vld [tilespmem:s31+$0x0];
	_ =	sdelay $0x1  }
0x70: {  	s22 =	simm.s32 $0x1  }
0x71: {  	s20 =	simm.s32 $0x2;
	s19 =	simm.s32 $0x3;
	s23 =	simm.s32 $0x4  }
0x72: {  	s29 =	simm.s32 $0xB450;
	s24 =	simm.s32 $0x0;
	s18 =	simm.f32 $-Inf  }
0x73: {  	s26 =	simm.s32 $0x5;
	s25 =	simm.s32 $0x0;
	(xrf0) =	vmax.scan.msk.f32 $0xffff, v10;
	p0 =	sgt.f32 s28, s18;
	v10, _, _ =	vpop (xrf0)  }
.LBB2_6:
0x74: {  	p1 =	sne.s32 s26, $0x50  }
0x75: {  	v11 =	vld [tilespmem:s29+$0x0];
	(v2sf) =	vpush v10, $0xF;
	s18 =	smov.u32 @p0 s28;
	s30 =	smov.u32 s26;
	s26 =	sadd.s32 $0x1, s26  }
.Ltmp2:
0x76: {  	s24 =	smov.u32 @p0 s25;
	s25 =	smov.u32 s22;
	(pc) =	sbr.rel @p1 .LBB2_6-.Ltmp2, $4  }
0x77: {  	s22 =	smov.u32 s20;
	s20 =	smov.u32 s19;
	s19 =	smov.u32 s23  }
0x78: {  	s23 =	smov.u32 s30;
	s28 =	spop (v2sf)  }
0x79: {  	p0 =	sgt.f32 s28, s18  }
0x7a: {  	s29 =	sadd.s32 $0x10, s29;
	(xrf0) =	vmax.scan.msk.f32 $0xffff, v11;
	v10, _, _ =	vpop (xrf0)  }
0x7b: {  	_ =	sdelay $0x2  }
0x7c: {  	(v2sf) =	vpush v10, $0xF;
	_ =	sdelay $0x1  }
0x7d: {  	v10, _, _ =	vpop (xrf0)  }
0x7e: {  	(v2sf) =	vpush v10, $0xF;
	_ =	sdelay $0x5  }
0x7f: {  	s18 =	smov.u32 @p0 s28;
	s26 =	spop (v2sf)  }
0x80: {  	p1 =	sgt.f32 s26, s18;
	_ =	sdelay $0x1  }
0x81: {  	s18 =	smov.u32 @p1 s26;
	s26 =	spop (v2sf)  }
0x82: {  	p2 =	sgt.f32 s26, s18;
	_ =	sdelay $0x1  }
0x83: {  	s18 =	smov.u32 @p2 s26;
	s26 =	spop (v2sf)  }
0x84: {  	s24 =	smov.u32 @p0 s25;
	p0 =	sgt.f32 s26, s18;
	_ =	sdelay $0x1  }
0x85: {  	s24 =	smov.u32 @p1 s22;
	s18 =	smov.u32 @p0 s26;
	s22 =	spop (v2sf)  }
0x86: {  	s24 =	smov.u32 @p2 s20;
	p1 =	sgt.f32 s22, s18  }
0x87: {  	s24 =	smov.u32 @p0 s19  }
0x88: {  	s24 =	smov.u32 @p1 s23  }
0x89: {  	s28 =	sshll.u32 s24, $0x4  }
0x8a: {  	v10 =	vld [tilespmem:s28+$0xB400];
	_ =	sdelay $0x3  }
0x8b: {  	s18 =	smov.u32 @p1 s22  }
0x8c: {  	vm7 =	veq.f32 v10, s18  }
0x8d: {  	v10 =	vnsel vm7, $0x80000010, v2  }
0x8e: {  	(xrf0) =	vmin.scan.msk.u32 $0xffff, v10;
	_ =	sdelay $0x5  }
0x8f: {  	v10, _, _ =	vpop (xrf0)  }
0x90: {  	(v2sf) =	vpush v10, $0xF;
	_ =	sdelay $0xe  }
0x91: {  	s29 =	spop (v2sf)  }
0x92: {  	s19 =	sadd.s32 s29, s28  }
0x93: {  	s19 =	sadd.s32 $0x80000000, s19  }
0x94: {  	s30 =	sshll.u32 s19, $0x6  }
0x95: {  	s20 =	sshra.s32 s30, $0x2  }
0x96: {  	v10 =	vld [tilespmem:s20+$0x6300];
	_ =	sdelay $0x4  }
0x97: {  	vm7 =	veq.f32 v10, s18  }
0x98: {  	v11 =	vnsel vm7, $0x80000010, v2  }
0x99: {  	(xrf0) =	vmin.scan.msk.u32 $0xffff, v11;
	_ =	sdelay $0x5  }
0x9a: {  	v11, _, _ =	vpop (xrf0)  }
0x9b: {  	(v2sf) =	vpush v11, $0xF;
	_ =	sdelay $0xe  }
0x9c: {  	s31 =	spop (v2sf)  }
0x9d: {  	s22 =	sxor.u32 $0x80000000, s31  }
0x9e: {  	v11 =	vmov s22  }
0x9f: {  	vm7 =	veq.s32 v11, v0  }
0xa0: {  	v10 =	vsel vm7, $0xFF800000, v10  }
0xa1: {  	(xrf0) =	vmax.scan.msk.f32 $0xffff, v10;
	_ =	sdelay $0x3  }
0xa2: {  	v12 =	vmov s21;
	s21 =	sadd.s32 $0x1, s21;
	v11 =	vmov s19  }
0xa3: {  	p0 =	sne.s32 s21, $0x20  }
.Ltmp3:
0xa4: {  	v13, _, _ =	vpop (xrf0);
	(pc) =	sbr.rel @p0 .LBB2_5-.Ltmp3, $4  }
0xa5: {  	v13 =	vbroadcast v13, $0xF  }
0xa6: {  	[tilespmem:s20+$0x6300] =	vst v10  }
0xa7: {  	v10 =	vmov s18;
	[tilespmem:v11+s13+$0x0] =	vst.idx.msk $0x1, v13  }
0xa8: {  	[tilespmem:v12+s15+$0x0] =	vst.idx.msk $0x1, v10  }
0xa9: {  	(xrf2) =	vadd.scan.msk.f32 $0xffff, v9  }
0xaa: {  	(xrf2) =	vadd.scan.msk.f32 $0xffff, v8  }
0xab: {  	(xrf2) =	vadd.scan.msk.f32 $0xffff, v7  }
0xac: {  	(xrf2) =	vadd.scan.msk.f32 $0xffff, v6  }
0xad: {  	(xrf2) =	vadd.scan.msk.f32 $0xffff, v5  }
0xae: {  	(xrf2) =	vadd.scan.msk.f32 $0xffff, v4  }
0xaf: {  	(xrf2) =	vadd.scan.msk.f32 $0xffff, v3;
	_ =	sdelay $0x3  }
0xb0: {  	v3, _, _ =	vpop (xrf2)  }
0xb1: {  	v55, _, _ =	vpop (xrf2);
	v3 =	vbroadcast v3, $0xF  }
0xb2: {  	v56, _, _ =	vpop (xrf2);
	v4 =	vbroadcast v55, $0xF  }
0xb3: {  	v6, _, _ =	vpop (xrf2);
	v3 =	vnsel vm0, $0x0, v3;
	v5 =	vbroadcast v56, $0xF  }
0xb4: {  	v57, _, _ =	vpop (xrf2);
	v3 =	vsel vm1, v3, v4;
	v58 =	vbroadcast v6, $0xF  }
0xb5: {  	v59, _, _ =	vpop (xrf2);
	v3 =	vsel vm2, v3, v5;
	v60 =	vbroadcast v57, $0xF  }
0xb6: {  	v61, _, _ =	vpop (xrf2);
	v3 =	vsel vm3, v3, v58;
	v62 =	vbroadcast v59, $0xF  }
0xb7: {  	v3 =	vsel vm4, v3, v60;
	v63 =	vbroadcast v61, $0xF  }
0xb8: {  	v3 =	vsel vm5, v3, v62  }
0xb9: {  	v3 =	vsel vm6, v3, v63  }
0xba: {  	[tilespmem:$0xBA00] =	vst v3  }
0xbb: {  	[hbm4b:s8+s2] =	stream.linear.scatter [tilespmem:s16], [sflag:$0x1], $0x80, $0x38;
	[tilespmem:$0xBA80] =	vst v63  }
0xbc: {  	s17 =	sadd.s32 $0x1, s17;
	_ =	swait.ge [sflag:s11], $0x80  }
0xbd: {  	p0 =	sne.s32 s17, s10;
	[sflag:s11] =	ssyncset.done $0x0  }
.Ltmp4:
0xbe: {  	[sflag:s11] =	ssyncadd.s32 $0xFFFFFF80;
	(pc) =	sbr.rel @p0 .LBB2_1-.Ltmp4, $4  }
0xbf: {  	[hbm4b:s9+s2] =	stream.linear.scatter [tilespmem:s15], [sflag:$0x1], $0x80, $0x38;
	[tilespmem:$0xBA80] =	vst v63  }
0xc0: {  	_ =	swait.ge [sflag:s11], $0x80  }
0xc1: {  	[sflag:s11] =	ssyncset.done $0x0  }
0xc2: {  	[sflag:s11] =	ssyncadd.s32 $0xFFFFFF80  }
0xc3: {  	_ =	sfence.sel $0x180000  }
0xc4: {  	[bflag:$0x0] =	sbarrier.arrive $0xFFFF  }
0xc5: {  	p0 =	sne.s32 s1, $0x0;
	_ =	strace $0x90000047  }
0xc6: {  	s0 =	sadd.s32 @!p0 $0x100000, s0;
	[bflag:$0x2] =	sbarrier.arrive $0xFFFF  }
0xc7: {  	[sflag:s0] =	ssyncadd.tile.s32 @!p0 $0x1;
	_ =	shalt  }
.Lfunc_end2:
_tile_overlayer_lowered:
.L_overlay_start_2:
0xc8: {  	(tag) =	ssettag $0x2  }
0xc9: {  	s0 =	rddreg [dreg:$0x0];
	s2 =	stileid.u32  }
0xca: {  	s1 =	rddreg [dreg:$0x1];
	p0 =	sne.s32 s2, $0x0  }
0xcb: {  	s3 =	rddreg [dreg:$0x2];
	[bflag:$0x3] =	sbarrier.arrive $0xFFFF;
	s2 =	simm.s32 @!p0 $0x1C01  }
0xcc: {  	[timem:s3], [sflag:s2] =	dma.local @!p0 [hbm:s0], s1  }
0xcd: {  	s0 =	simm.s32 @!p0 $0x1  }
0xce: {  	_ =	swait.ge @!p0 [sflag:s0], s1  }
0xcf: {  	s1 =	ssub.s32 @!p0 $0x0, s1;
	[sflag:s0] =	ssyncset.done @!p0 $0x0  }
0xd0: {  	[sflag:s0] =	ssyncadd.s32 @!p0 s1  }
0xd1: {  	[bflag:$0x3] =	sbarrier.arrive $0xFFFF  }
0xd2: {  	_ =	shalt  }

</sc_bundles>
